<compile_context>
chip_gen: v7x
topology: tpu7x:2x2x1
jax: 0.10.2.dev20260603
libtpu: 0.0.44.dev20260713+nightly
codegen_flags: <defaults>
</compile_context>

<pallas_src>
import functools

import jax
import jax.numpy as jnp
from jax import lax
from jax.experimental import pallas as pl
from jax.experimental.pallas import tpu as pltpu
from jax.experimental.pallas import tpu_sc as plsc

_NC = 2
_NS = 16
_NW = _NC * _NS
_CH = 128
_NBUF = 13


def _gather_body(table_hbm, idx_hbm, out_hbm, idx_v, rows_v, *sems):
    gsems, osems = sems[:_NBUF], sems[_NBUF:]
    wid = lax.axis_index("s") * _NC + lax.axis_index("c")
    nchunk = idx_v.shape[0] // _CH
    base = wid * (nchunk * _CH)
    pltpu.sync_copy(idx_hbm.at[pl.ds(base, nchunk * _CH)], idx_v)

    for b in range(_NBUF):
        pltpu.async_copy(
            table_hbm.at[idx_v.at[pl.ds(b * _CH, _CH)]], rows_v.at[b], gsems[b]
        )

    @pl.loop(0, nchunk, step=_NBUF)
    def _outer(g):
        for b in range(_NBUF):
            j = g + b
            slot = b

            pltpu.make_async_copy(
                table_hbm.at[idx_v.at[pl.ds(0, _CH)]], rows_v.at[slot], gsems[slot]
            ).wait()
            pltpu.async_copy(
                rows_v.at[slot], out_hbm.at[pl.ds(base + j * _CH, _CH)], osems[slot]
            )

            @pl.when(j + _NBUF < nchunk)
            def _():
                pltpu.make_async_copy(
                    rows_v.at[slot], out_hbm.at[pl.ds(0, _CH)], osems[slot]
                ).wait()
                pltpu.async_copy(
                    table_hbm.at[idx_v.at[pl.ds((j + _NBUF) * _CH, _CH)]],
                    rows_v.at[slot],
                    gsems[slot],
                )

    for b in range(_NBUF):
        pltpu.make_async_copy(
            rows_v.at[b], out_hbm.at[pl.ds(0, _CH)], osems[b]
        ).wait()


def kernel(x, weight):
    batch, fields = x.shape
    depth = weight.shape[1]
    total = batch * fields
    per_w = total // _NW
    idx = x.reshape(total)

    call = pl.kernel(
        _gather_body,
        out_type=jax.ShapeDtypeStruct((total, depth), jnp.float32),
        mesh=plsc.VectorSubcoreMesh(core_axis_name="c", subcore_axis_name="s"),
        scratch_types=[
            pltpu.VMEM((per_w,), jnp.int32),
            pltpu.VMEM((_NBUF, _CH, depth), jnp.float32),
        ] + [pltpu.SemaphoreType.DMA] * (2 * _NBUF),
        compiler_params=pltpu.CompilerParams(use_tc_tiling_on_sc=False),
    )
    out = call(weight, idx)
    return out.reshape(batch, fields, depth)

# --- scband reference (transcript-rebuilt; emitter-appended) ---
"""Pipeline reference for scband-gather-embedder-15573551415425 (READ-ONLY COPY).

The authoritative reference and input builder live on the scoring server;
editing this copy changes nothing except your own understanding.
"""

import jax, jax.numpy as jnp
import numpy as np

VOCAB = 100000
EMBED_DIM = 64
BATCH = 4096
FIELDS = 26

def setup_inputs(seed: int = 0) -> dict:
    key = jax.random.key(seed)
    k1, k2 = jax.random.split(key)
    x = jax.random.randint(k1, (BATCH, FIELDS), 0, VOCAB, dtype=jnp.int64 if jax.config.jax_enable_x64 else jnp.int32)
    weight = jax.random.normal(k2, (VOCAB, EMBED_DIM), dtype=jnp.float32)
    return {"x": x, "weight": weight}

def reference(x, weight):
    # Faithful translation of: return self.weight[x]
    return jnp.take(weight, x, axis=0)

if __name__ == "__main__":
    import jax
    _d = setup_inputs()
    print(jax.jit(kernel)(*tuple(_d.values())))

</pallas_src>

<mosaic_0001>
#map = affine_map<(d0, d1) -> (0, 0)>
#map1 = affine_map<(d0, d1) -> (0)>
module attributes {stable_mosaic.version = 14 : i64} {
  func.func @_gather_body(%arg0: i32, %arg1: i32, %arg2: memref<100000x64xf32, #tpu.memory_space<hbm>>, %arg3: memref<106496xi32, #tpu.memory_space<hbm>>, %arg4: memref<106496x64xf32, #tpu.memory_space<hbm>>, %arg5: memref<3328xi32, #tpu.memory_space<vmem>>, %arg6: memref<13x128x64xf32, #tpu.memory_space<vmem>>, %arg7: memref<!tpu.dma_semaphore, #tpu.memory_space<semaphore_mem>>, %arg8: memref<!tpu.dma_semaphore, #tpu.memory_space<semaphore_mem>>, %arg9: memref<!tpu.dma_semaphore, #tpu.memory_space<semaphore_mem>>, %arg10: memref<!tpu.dma_semaphore, #tpu.memory_space<semaphore_mem>>, %arg11: memref<!tpu.dma_semaphore, #tpu.memory_space<semaphore_mem>>, %arg12: memref<!tpu.dma_semaphore, #tpu.memory_space<semaphore_mem>>, %arg13: memref<!tpu.dma_semaphore, #tpu.memory_space<semaphore_mem>>, %arg14: memref<!tpu.dma_semaphore, #tpu.memory_space<semaphore_mem>>, %arg15: memref<!tpu.dma_semaphore, #tpu.memory_space<semaphore_mem>>, %arg16: memref<!tpu.dma_semaphore, #tpu.memory_space<semaphore_mem>>, %arg17: memref<!tpu.dma_semaphore, #tpu.memory_space<semaphore_mem>>, %arg18: memref<!tpu.dma_semaphore, #tpu.memory_space<semaphore_mem>>, %arg19: memref<!tpu.dma_semaphore, #tpu.memory_space<semaphore_mem>>, %arg20: memref<!tpu.dma_semaphore, #tpu.memory_space<semaphore_mem>>, %arg21: memref<!tpu.dma_semaphore, #tpu.memory_space<semaphore_mem>>, %arg22: memref<!tpu.dma_semaphore, #tpu.memory_space<semaphore_mem>>, %arg23: memref<!tpu.dma_semaphore, #tpu.memory_space<semaphore_mem>>, %arg24: memref<!tpu.dma_semaphore, #tpu.memory_space<semaphore_mem>>, %arg25: memref<!tpu.dma_semaphore, #tpu.memory_space<semaphore_mem>>, %arg26: memref<!tpu.dma_semaphore, #tpu.memory_space<semaphore_mem>>, %arg27: memref<!tpu.dma_semaphore, #tpu.memory_space<semaphore_mem>>, %arg28: memref<!tpu.dma_semaphore, #tpu.memory_space<semaphore_mem>>, %arg29: memref<!tpu.dma_semaphore, #tpu.memory_space<semaphore_mem>>, %arg30: memref<!tpu.dma_semaphore, #tpu.memory_space<semaphore_mem>>, %arg31: memref<!tpu.dma_semaphore, #tpu.memory_space<semaphore_mem>>, %arg32: memref<!tpu.dma_semaphore, #tpu.memory_space<semaphore_mem>>) attributes {dimension_semantics = [#tpu.dimension_semantics<core_parallel>, #tpu.dimension_semantics<subcore_parallel>], iteration_bounds = array<i64: 2, 16>, scalar_prefetch = 0 : i64, scratch_operands = 28 : i64, tpu.core_type = #tpu.core_type<sc_vector_subcore>, window_params = [{transform_indices = #map}, {transform_indices = #map1}, {transform_indices = #map}]} {
    %mul3A = arith.constant 2 : i32
    %mul3A_0 = arith.muli %arg1, %mul3A : i32
    %add3A = arith.addi %mul3A_0, %arg0 : i32
    %mul3A_1 = arith.constant 3328 : i32
    %mul3A_2 = arith.muli %add3A, %mul3A_1 : i32
    "tpu.region"() ({
      %run_scoped3A = tpu.sem_alloc : memref<!tpu.dma_semaphore, #tpu.memory_space<semaphore_mem>>
      %dma_start3A_330 = tpu.memref_slice %arg3[%mul3A_2] : memref<106496xi32, #tpu.memory_space<hbm>> -> memref<3328xi32, #tpu.memory_space<hbm>>
      %dma_start3A_331 = tpu.memref_slice %arg3[%mul3A_2] : memref<106496xi32, #tpu.memory_space<hbm>> -> memref<3328xi32, #tpu.memory_space<hbm>>
      tpu.enqueue_dma source(%dma_start3A_331 : memref<3328xi32, #tpu.memory_space<hbm>>) target(%arg5 : memref<3328xi32, #tpu.memory_space<vmem>>) target_semaphore(%run_scoped3A : memref<!tpu.dma_semaphore, #tpu.memory_space<semaphore_mem>>)
      %dma_wait3A_332 = tpu.memref_slice %arg3[%mul3A_2] : memref<106496xi32, #tpu.memory_space<hbm>> -> memref<3328xi32, #tpu.memory_space<hbm>>
      %dma_wait3A_333 = tpu.memref_slice %arg3[%mul3A_2] : memref<106496xi32, #tpu.memory_space<hbm>> -> memref<3328xi32, #tpu.memory_space<hbm>>
      tpu.wait_dma2 semaphore(%run_scoped3A : memref<!tpu.dma_semaphore, #tpu.memory_space<semaphore_mem>>) src(%dma_wait3A_333 : memref<3328xi32, #tpu.memory_space<hbm>>) dst(%arg5 : memref<3328xi32, #tpu.memory_space<vmem>>)
      tpu.yield
    }) : () -> ()
    %dma_start3A = arith.constant 0 : i32
    %dma_start3A_3 = arith.constant 0 : i32
    %dma_start3A_4 = arith.constant 0 : i32
    %dma_start3A_5 = tpu.memref_slice %arg6[%dma_start3A, %dma_start3A_3, %dma_start3A_4] : memref<13x128x64xf32, #tpu.memory_space<vmem>> -> memref<1x128x64xf32, #tpu.memory_space<vmem>>
    %dma_start3A_6 = tpu.memref_squeeze %dma_start3A_5 : memref<1x128x64xf32, #tpu.memory_space<vmem>> -> memref<128x64xf32, #tpu.memory_space<vmem>>
    %dma_start3A_7 = arith.constant 0 : i32
    %dma_start3A_8 = tpu.memref_slice %arg5[%dma_start3A_7] : memref<3328xi32, #tpu.memory_space<vmem>> -> memref<128xi32, #tpu.memory_space<vmem>>
    %dma_start3A_9 = arith.constant 0 : i32
    %dma_start3A_10 = arith.constant 0 : i32
    %dma_start3A_11 = tpu.memref_slice %arg2[%dma_start3A_9, %dma_start3A_10] : memref<100000x64xf32, #tpu.memory_space<hbm>> -> memref<100000x64xf32, #tpu.memory_space<hbm>>
    tpu.enqueue_indirect_dma source(%dma_start3A_11 : memref<100000x64xf32, #tpu.memory_space<hbm>>) target(%dma_start3A_6 : memref<128x64xf32, #tpu.memory_space<vmem>>) offsets(%dma_start3A_8 : memref<128xi32, #tpu.memory_space<vmem>>) semaphore(%arg7 : memref<!tpu.dma_semaphore, #tpu.memory_space<semaphore_mem>>)
    %dma_start3A_12 = arith.constant 1 : i32
    %dma_start3A_13 = arith.constant 0 : i32
    %dma_start3A_14 = arith.constant 0 : i32
    %dma_start3A_15 = tpu.memref_slice %arg6[%dma_start3A_12, %dma_start3A_13, %dma_start3A_14] : memref<13x128x64xf32, #tpu.memory_space<vmem>> -> memref<1x128x64xf32, #tpu.memory_space<vmem>>
    %dma_start3A_16 = tpu.memref_squeeze %dma_start3A_15 : memref<1x128x64xf32, #tpu.memory_space<vmem>> -> memref<128x64xf32, #tpu.memory_space<vmem>>
    %dma_start3A_17 = arith.constant 128 : i32
    %dma_start3A_18 = tpu.memref_slice %arg5[%dma_start3A_17] : memref<3328xi32, #tpu.memory_space<vmem>> -> memref<128xi32, #tpu.memory_space<vmem>>
    %dma_start3A_19 = arith.constant 0 : i32
    %dma_start3A_20 = arith.constant 0 : i32
    %dma_start3A_21 = tpu.memref_slice %arg2[%dma_start3A_19, %dma_start3A_20] : memref<100000x64xf32, #tpu.memory_space<hbm>> -> memref<100000x64xf32, #tpu.memory_space<hbm>>
    tpu.enqueue_indirect_dma source(%dma_start3A_21 : memref<100000x64xf32, #tpu.memory_space<hbm>>) target(%dma_start3A_16 : memref<128x64xf32, #tpu.memory_space<vmem>>) offsets(%dma_start3A_18 : memref<128xi32, #tpu.memory_space<vmem>>) semaphore(%arg8 : memref<!tpu.dma_semaphore, #tpu.memory_space<semaphore_mem>>)
    %dma_start3A_22 = arith.constant 2 : i32
    %dma_start3A_23 = arith.constant 0 : i32
    %dma_start3A_24 = arith.constant 0 : i32
    %dma_start3A_25 = tpu.memref_slice %arg6[%dma_start3A_22, %dma_start3A_23, %dma_start3A_24] : memref<13x128x64xf32, #tpu.memory_space<vmem>> -> memref<1x128x64xf32, #tpu.memory_space<vmem>>
    %dma_start3A_26 = tpu.memref_squeeze %dma_start3A_25 : memref<1x128x64xf32, #tpu.memory_space<vmem>> -> memref<128x64xf32, #tpu.memory_space<vmem>>
    %dma_start3A_27 = arith.constant 256 : i32
    %dma_start3A_28 = tpu.memref_slice %arg5[%dma_start3A_27] : memref<3328xi32, #tpu.memory_space<vmem>> -> memref<128xi32, #tpu.memory_space<vmem>>
    %dma_start3A_29 = arith.constant 0 : i32
    %dma_start3A_30 = arith.constant 0 : i32
    %dma_start3A_31 = tpu.memref_slice %arg2[%dma_start3A_29, %dma_start3A_30] : memref<100000x64xf32, #tpu.memory_space<hbm>> -> memref<100000x64xf32, #tpu.memory_space<hbm>>
    tpu.enqueue_indirect_dma source(%dma_start3A_31 : memref<100000x64xf32, #tpu.memory_space<hbm>>) target(%dma_start3A_26 : memref<128x64xf32, #tpu.memory_space<vmem>>) offsets(%dma_start3A_28 : memref<128xi32, #tpu.memory_space<vmem>>) semaphore(%arg9 : memref<!tpu.dma_semaphore, #tpu.memory_space<semaphore_mem>>)
    %dma_start3A_32 = arith.constant 3 : i32
    %dma_start3A_33 = arith.constant 0 : i32
    %dma_start3A_34 = arith.constant 0 : i32
    %dma_start3A_35 = tpu.memref_slice %arg6[%dma_start3A_32, %dma_start3A_33, %dma_start3A_34] : memref<13x128x64xf32, #tpu.memory_space<vmem>> -> memref<1x128x64xf32, #tpu.memory_space<vmem>>
    %dma_start3A_36 = tpu.memref_squeeze %dma_start3A_35 : memref<1x128x64xf32, #tpu.memory_space<vmem>> -> memref<128x64xf32, #tpu.memory_space<vmem>>
    %dma_start3A_37 = arith.constant 384 : i32
    %dma_start3A_38 = tpu.memref_slice %arg5[%dma_start3A_37] : memref<3328xi32, #tpu.memory_space<vmem>> -> memref<128xi32, #tpu.memory_space<vmem>>
    %dma_start3A_39 = arith.constant 0 : i32
    %dma_start3A_40 = arith.constant 0 : i32
    %dma_start3A_41 = tpu.memref_slice %arg2[%dma_start3A_39, %dma_start3A_40] : memref<100000x64xf32, #tpu.memory_space<hbm>> -> memref<100000x64xf32, #tpu.memory_space<hbm>>
    tpu.enqueue_indirect_dma source(%dma_start3A_41 : memref<100000x64xf32, #tpu.memory_space<hbm>>) target(%dma_start3A_36 : memref<128x64xf32, #tpu.memory_space<vmem>>) offsets(%dma_start3A_38 : memref<128xi32, #tpu.memory_space<vmem>>) semaphore(%arg10 : memref<!tpu.dma_semaphore, #tpu.memory_space<semaphore_mem>>)
    %dma_start3A_42 = arith.constant 4 : i32
    %dma_start3A_43 = arith.constant 0 : i32
    %dma_start3A_44 = arith.constant 0 : i32
    %dma_start3A_45 = tpu.memref_slice %arg6[%dma_start3A_42, %dma_start3A_43, %dma_start3A_44] : memref<13x128x64xf32, #tpu.memory_space<vmem>> -> memref<1x128x64xf32, #tpu.memory_space<vmem>>
    %dma_start3A_46 = tpu.memref_squeeze %dma_start3A_45 : memref<1x128x64xf32, #tpu.memory_space<vmem>> -> memref<128x64xf32, #tpu.memory_space<vmem>>
    %dma_start3A_47 = arith.constant 512 : i32
    %dma_start3A_48 = tpu.memref_slice %arg5[%dma_start3A_47] : memref<3328xi32, #tpu.memory_space<vmem>> -> memref<128xi32, #tpu.memory_space<vmem>>
    %dma_start3A_49 = arith.constant 0 : i32
    %dma_start3A_50 = arith.constant 0 : i32
    %dma_start3A_51 = tpu.memref_slice %arg2[%dma_start3A_49, %dma_start3A_50] : memref<100000x64xf32, #tpu.memory_space<hbm>> -> memref<100000x64xf32, #tpu.memory_space<hbm>>
    tpu.enqueue_indirect_dma source(%dma_start3A_51 : memref<100000x64xf32, #tpu.memory_space<hbm>>) target(%dma_start3A_46 : memref<128x64xf32, #tpu.memory_space<vmem>>) offsets(%dma_start3A_48 : memref<128xi32, #tpu.memory_space<vmem>>) semaphore(%arg11 : memref<!tpu.dma_semaphore, #tpu.memory_space<semaphore_mem>>)
    %dma_start3A_52 = arith.constant 5 : i32
    %dma_start3A_53 = arith.constant 0 : i32
    %dma_start3A_54 = arith.constant 0 : i32
    %dma_start3A_55 = tpu.memref_slice %arg6[%dma_start3A_52, %dma_start3A_53, %dma_start3A_54] : memref<13x128x64xf32, #tpu.memory_space<vmem>> -> memref<1x128x64xf32, #tpu.memory_space<vmem>>
    %dma_start3A_56 = tpu.memref_squeeze %dma_start3A_55 : memref<1x128x64xf32, #tpu.memory_space<vmem>> -> memref<128x64xf32, #tpu.memory_space<vmem>>
    %dma_start3A_57 = arith.constant 640 : i32
    %dma_start3A_58 = tpu.memref_slice %arg5[%dma_start3A_57] : memref<3328xi32, #tpu.memory_space<vmem>> -> memref<128xi32, #tpu.memory_space<vmem>>
    %dma_start3A_59 = arith.constant 0 : i32
    %dma_start3A_60 = arith.constant 0 : i32
    %dma_start3A_61 = tpu.memref_slice %arg2[%dma_start3A_59, %dma_start3A_60] : memref<100000x64xf32, #tpu.memory_space<hbm>> -> memref<100000x64xf32, #tpu.memory_space<hbm>>
    tpu.enqueue_indirect_dma source(%dma_start3A_61 : memref<100000x64xf32, #tpu.memory_space<hbm>>) target(%dma_start3A_56 : memref<128x64xf32, #tpu.memory_space<vmem>>) offsets(%dma_start3A_58 : memref<128xi32, #tpu.memory_space<vmem>>) semaphore(%arg12 : memref<!tpu.dma_semaphore, #tpu.memory_space<semaphore_mem>>)
    %dma_start3A_62 = arith.constant 6 : i32
    %dma_start3A_63 = arith.constant 0 : i32
    %dma_start3A_64 = arith.constant 0 : i32
    %dma_start3A_65 = tpu.memref_slice %arg6[%dma_start3A_62, %dma_start3A_63, %dma_start3A_64] : memref<13x128x64xf32, #tpu.memory_space<vmem>> -> memref<1x128x64xf32, #tpu.memory_space<vmem>>
    %dma_start3A_66 = tpu.memref_squeeze %dma_start3A_65 : memref<1x128x64xf32, #tpu.memory_space<vmem>> -> memref<128x64xf32, #tpu.memory_space<vmem>>
    %dma_start3A_67 = arith.constant 768 : i32
    %dma_start3A_68 = tpu.memref_slice %arg5[%dma_start3A_67] : memref<3328xi32, #tpu.memory_space<vmem>> -> memref<128xi32, #tpu.memory_space<vmem>>
    %dma_start3A_69 = arith.constant 0 : i32
    %dma_start3A_70 = arith.constant 0 : i32
    %dma_start3A_71 = tpu.memref_slice %arg2[%dma_start3A_69, %dma_start3A_70] : memref<100000x64xf32, #tpu.memory_space<hbm>> -> memref<100000x64xf32, #tpu.memory_space<hbm>>
    tpu.enqueue_indirect_dma source(%dma_start3A_71 : memref<100000x64xf32, #tpu.memory_space<hbm>>) target(%dma_start3A_66 : memref<128x64xf32, #tpu.memory_space<vmem>>) offsets(%dma_start3A_68 : memref<128xi32, #tpu.memory_space<vmem>>) semaphore(%arg13 : memref<!tpu.dma_semaphore, #tpu.memory_space<semaphore_mem>>)
    %dma_start3A_72 = arith.constant 7 : i32
    %dma_start3A_73 = arith.constant 0 : i32
    %dma_start3A_74 = arith.constant 0 : i32
    %dma_start3A_75 = tpu.memref_slice %arg6[%dma_start3A_72, %dma_start3A_73, %dma_start3A_74] : memref<13x128x64xf32, #tpu.memory_space<vmem>> -> memref<1x128x64xf32, #tpu.memory_space<vmem>>
    %dma_start3A_76 = tpu.memref_squeeze %dma_start3A_75 : memref<1x128x64xf32, #tpu.memory_space<vmem>> -> memref<128x64xf32, #tpu.memory_space<vmem>>
    %dma_start3A_77 = arith.constant 896 : i32
    %dma_start3A_78 = tpu.memref_slice %arg5[%dma_start3A_77] : memref<3328xi32, #tpu.memory_space<vmem>> -> memref<128xi32, #tpu.memory_space<vmem>>
    %dma_start3A_79 = arith.constant 0 : i32
    %dma_start3A_80 = arith.constant 0 : i32
    %dma_start3A_81 = tpu.memref_slice %arg2[%dma_start3A_79, %dma_start3A_80] : memref<100000x64xf32, #tpu.memory_space<hbm>> -> memref<100000x64xf32, #tpu.memory_space<hbm>>
    tpu.enqueue_indirect_dma source(%dma_start3A_81 : memref<100000x64xf32, #tpu.memory_space<hbm>>) target(%dma_start3A_76 : memref<128x64xf32, #tpu.memory_space<vmem>>) offsets(%dma_start3A_78 : memref<128xi32, #tpu.memory_space<vmem>>) semaphore(%arg14 : memref<!tpu.dma_semaphore, #tpu.memory_space<semaphore_mem>>)
    %dma_start3A_82 = arith.constant 8 : i32
    %dma_start3A_83 = arith.constant 0 : i32
    %dma_start3A_84 = arith.constant 0 : i32
    %dma_start3A_85 = tpu.memref_slice %arg6[%dma_start3A_82, %dma_start3A_83, %dma_start3A_84] : memref<13x128x64xf32, #tpu.memory_space<vmem>> -> memref<1x128x64xf32, #tpu.memory_space<vmem>>
    %dma_start3A_86 = tpu.memref_squeeze %dma_start3A_85 : memref<1x128x64xf32, #tpu.memory_space<vmem>> -> memref<128x64xf32, #tpu.memory_space<vmem>>
    %dma_start3A_87 = arith.constant 1024 : i32
    %dma_start3A_88 = tpu.memref_slice %arg5[%dma_start3A_87] : memref<3328xi32, #tpu.memory_space<vmem>> -> memref<128xi32, #tpu.memory_space<vmem>>
    %dma_start3A_89 = arith.constant 0 : i32
    %dma_start3A_90 = arith.constant 0 : i32
    %dma_start3A_91 = tpu.memref_slice %arg2[%dma_start3A_89, %dma_start3A_90] : memref<100000x64xf32, #tpu.memory_space<hbm>> -> memref<100000x64xf32, #tpu.memory_space<hbm>>
    tpu.enqueue_indirect_dma source(%dma_start3A_91 : memref<100000x64xf32, #tpu.memory_space<hbm>>) target(%dma_start3A_86 : memref<128x64xf32, #tpu.memory_space<vmem>>) offsets(%dma_start3A_88 : memref<128xi32, #tpu.memory_space<vmem>>) semaphore(%arg15 : memref<!tpu.dma_semaphore, #tpu.memory_space<semaphore_mem>>)
    %dma_start3A_92 = arith.constant 9 : i32
    %dma_start3A_93 = arith.constant 0 : i32
    %dma_start3A_94 = arith.constant 0 : i32
    %dma_start3A_95 = tpu.memref_slice %arg6[%dma_start3A_92, %dma_start3A_93, %dma_start3A_94] : memref<13x128x64xf32, #tpu.memory_space<vmem>> -> memref<1x128x64xf32, #tpu.memory_space<vmem>>
    %dma_start3A_96 = tpu.memref_squeeze %dma_start3A_95 : memref<1x128x64xf32, #tpu.memory_space<vmem>> -> memref<128x64xf32, #tpu.memory_space<vmem>>
    %dma_start3A_97 = arith.constant 1152 : i32
    %dma_start3A_98 = tpu.memref_slice %arg5[%dma_start3A_97] : memref<3328xi32, #tpu.memory_space<vmem>> -> memref<128xi32, #tpu.memory_space<vmem>>
    %dma_start3A_99 = arith.constant 0 : i32
    %dma_start3A_100 = arith.constant 0 : i32
    %dma_start3A_101 = tpu.memref_slice %arg2[%dma_start3A_99, %dma_start3A_100] : memref<100000x64xf32, #tpu.memory_space<hbm>> -> memref<100000x64xf32, #tpu.memory_space<hbm>>
    tpu.enqueue_indirect_dma source(%dma_start3A_101 : memref<100000x64xf32, #tpu.memory_space<hbm>>) target(%dma_start3A_96 : memref<128x64xf32, #tpu.memory_space<vmem>>) offsets(%dma_start3A_98 : memref<128xi32, #tpu.memory_space<vmem>>) semaphore(%arg16 : memref<!tpu.dma_semaphore, #tpu.memory_space<semaphore_mem>>)
    %dma_start3A_102 = arith.constant 10 : i32
    %dma_start3A_103 = arith.constant 0 : i32
    %dma_start3A_104 = arith.constant 0 : i32
    %dma_start3A_105 = tpu.memref_slice %arg6[%dma_start3A_102, %dma_start3A_103, %dma_start3A_104] : memref<13x128x64xf32, #tpu.memory_space<vmem>> -> memref<1x128x64xf32, #tpu.memory_space<vmem>>
    %dma_start3A_106 = tpu.memref_squeeze %dma_start3A_105 : memref<1x128x64xf32, #tpu.memory_space<vmem>> -> memref<128x64xf32, #tpu.memory_space<vmem>>
    %dma_start3A_107 = arith.constant 1280 : i32
    %dma_start3A_108 = tpu.memref_slice %arg5[%dma_start3A_107] : memref<3328xi32, #tpu.memory_space<vmem>> -> memref<128xi32, #tpu.memory_space<vmem>>
    %dma_start3A_109 = arith.constant 0 : i32
    %dma_start3A_110 = arith.constant 0 : i32
    %dma_start3A_111 = tpu.memref_slice %arg2[%dma_start3A_109, %dma_start3A_110] : memref<100000x64xf32, #tpu.memory_space<hbm>> -> memref<100000x64xf32, #tpu.memory_space<hbm>>
    tpu.enqueue_indirect_dma source(%dma_start3A_111 : memref<100000x64xf32, #tpu.memory_space<hbm>>) target(%dma_start3A_106 : memref<128x64xf32, #tpu.memory_space<vmem>>) offsets(%dma_start3A_108 : memref<128xi32, #tpu.memory_space<vmem>>) semaphore(%arg17 : memref<!tpu.dma_semaphore, #tpu.memory_space<semaphore_mem>>)
    %dma_start3A_112 = arith.constant 11 : i32
    %dma_start3A_113 = arith.constant 0 : i32
    %dma_start3A_114 = arith.constant 0 : i32
    %dma_start3A_115 = tpu.memref_slice %arg6[%dma_start3A_112, %dma_start3A_113, %dma_start3A_114] : memref<13x128x64xf32, #tpu.memory_space<vmem>> -> memref<1x128x64xf32, #tpu.memory_space<vmem>>
    %dma_start3A_116 = tpu.memref_squeeze %dma_start3A_115 : memref<1x128x64xf32, #tpu.memory_space<vmem>> -> memref<128x64xf32, #tpu.memory_space<vmem>>
    %dma_start3A_117 = arith.constant 1408 : i32
    %dma_start3A_118 = tpu.memref_slice %arg5[%dma_start3A_117] : memref<3328xi32, #tpu.memory_space<vmem>> -> memref<128xi32, #tpu.memory_space<vmem>>
    %dma_start3A_119 = arith.constant 0 : i32
    %dma_start3A_120 = arith.constant 0 : i32
    %dma_start3A_121 = tpu.memref_slice %arg2[%dma_start3A_119, %dma_start3A_120] : memref<100000x64xf32, #tpu.memory_space<hbm>> -> memref<100000x64xf32, #tpu.memory_space<hbm>>
    tpu.enqueue_indirect_dma source(%dma_start3A_121 : memref<100000x64xf32, #tpu.memory_space<hbm>>) target(%dma_start3A_116 : memref<128x64xf32, #tpu.memory_space<vmem>>) offsets(%dma_start3A_118 : memref<128xi32, #tpu.memory_space<vmem>>) semaphore(%arg18 : memref<!tpu.dma_semaphore, #tpu.memory_space<semaphore_mem>>)
    %dma_start3A_122 = arith.constant 12 : i32
    %dma_start3A_123 = arith.constant 0 : i32
    %dma_start3A_124 = arith.constant 0 : i32
    %dma_start3A_125 = tpu.memref_slice %arg6[%dma_start3A_122, %dma_start3A_123, %dma_start3A_124] : memref<13x128x64xf32, #tpu.memory_space<vmem>> -> memref<1x128x64xf32, #tpu.memory_space<vmem>>
    %dma_start3A_126 = tpu.memref_squeeze %dma_start3A_125 : memref<1x128x64xf32, #tpu.memory_space<vmem>> -> memref<128x64xf32, #tpu.memory_space<vmem>>
    %dma_start3A_127 = arith.constant 1536 : i32
    %dma_start3A_128 = tpu.memref_slice %arg5[%dma_start3A_127] : memref<3328xi32, #tpu.memory_space<vmem>> -> memref<128xi32, #tpu.memory_space<vmem>>
    %dma_start3A_129 = arith.constant 0 : i32
    %dma_start3A_130 = arith.constant 0 : i32
    %dma_start3A_131 = tpu.memref_slice %arg2[%dma_start3A_129, %dma_start3A_130] : memref<100000x64xf32, #tpu.memory_space<hbm>> -> memref<100000x64xf32, #tpu.memory_space<hbm>>
    tpu.enqueue_indirect_dma source(%dma_start3A_131 : memref<100000x64xf32, #tpu.memory_space<hbm>>) target(%dma_start3A_126 : memref<128x64xf32, #tpu.memory_space<vmem>>) offsets(%dma_start3A_128 : memref<128xi32, #tpu.memory_space<vmem>>) semaphore(%arg19 : memref<!tpu.dma_semaphore, #tpu.memory_space<semaphore_mem>>)
    %scan3A = arith.constant 0 : i32
    %scan3A_132 = arith.constant 2 : i32
    %scan3A_133 = arith.addi %scan3A, %scan3A_132 : i32
    %scan3A_134 = arith.constant 1 : i32
    scf.for %scan3A_330 = %scan3A to %scan3A_133 step %scan3A_134  : i32 {
      %mul3A_331 = arith.constant 13 : i32
      %mul3A_332 = arith.muli %scan3A_330, %mul3A_331 : i32
      %add3A_333 = arith.constant 0 : i32
      %add3A_334 = arith.addi %add3A_333, %mul3A_332 : i32
      %add3A_335 = arith.constant 0 : i32
      %add3A_336 = arith.addi %add3A_334, %add3A_335 : i32
      %dma_wait3A_337 = arith.constant 0 : i32
      %dma_wait3A_338 = arith.constant 0 : i32
      %dma_wait3A_339 = arith.constant 0 : i32
      %dma_wait3A_340 = tpu.memref_slice %arg6[%dma_wait3A_337, %dma_wait3A_338, %dma_wait3A_339] : memref<13x128x64xf32, #tpu.memory_space<vmem>> -> memref<1x128x64xf32, #tpu.memory_space<vmem>>
      %dma_wait3A_341 = tpu.memref_squeeze %dma_wait3A_340 : memref<1x128x64xf32, #tpu.memory_space<vmem>> -> memref<128x64xf32, #tpu.memory_space<vmem>>
      %dma_wait3A_342 = arith.constant 0 : i32
      %dma_wait3A_343 = tpu.memref_slice %arg5[%dma_wait3A_342] : memref<3328xi32, #tpu.memory_space<vmem>> -> memref<128xi32, #tpu.memory_space<vmem>>
      %dma_wait3A_344 = arith.constant 0 : i32
      %dma_wait3A_345 = arith.constant 0 : i32
      %dma_wait3A_346 = tpu.memref_slice %arg2[%dma_wait3A_344, %dma_wait3A_345] : memref<100000x64xf32, #tpu.memory_space<hbm>> -> memref<100000x64xf32, #tpu.memory_space<hbm>>
      tpu.wait_indirect_dma semaphore(%arg7 : memref<!tpu.dma_semaphore, #tpu.memory_space<semaphore_mem>>) src(%dma_wait3A_346 : memref<100000x64xf32, #tpu.memory_space<hbm>>) dst(%dma_wait3A_341 : memref<128x64xf32, #tpu.memory_space<vmem>>)
      %mul3A_347 = arith.constant 128 : i32
      %mul3A_348 = arith.muli %add3A_336, %mul3A_347 : i32
      %add3A_349 = arith.addi %mul3A_2, %mul3A_348 : i32
      %dma_start3A_350 = arith.constant 0 : i32
      %dma_start3A_351 = arith.constant 0 : i32
      %dma_start3A_352 = arith.constant 0 : i32
      %dma_start3A_353 = tpu.memref_slice %arg6[%dma_start3A_350, %dma_start3A_351, %dma_start3A_352] : memref<13x128x64xf32, #tpu.memory_space<vmem>> -> memref<1x128x64xf32, #tpu.memory_space<vmem>>
      %dma_start3A_354 = tpu.memref_squeeze %dma_start3A_353 : memref<1x128x64xf32, #tpu.memory_space<vmem>> -> memref<128x64xf32, #tpu.memory_space<vmem>>
      %dma_start3A_355 = arith.constant 0 : i32
      %dma_start3A_356 = tpu.memref_slice %arg4[%add3A_349, %dma_start3A_355] : memref<106496x64xf32, #tpu.memory_space<hbm>> -> memref<128x64xf32, #tpu.memory_space<hbm>>
      %dma_start3A_357 = arith.constant 0 : i32
      %dma_start3A_358 = tpu.memref_slice %arg4[%add3A_349, %dma_start3A_357] : memref<106496x64xf32, #tpu.memory_space<hbm>> -> memref<128x64xf32, #tpu.memory_space<hbm>>
      %dma_start3A_359 = arith.constant 0 : i32
      %dma_start3A_360 = arith.constant 0 : i32
      %dma_start3A_361 = tpu.memref_slice %arg6[%dma_start3A_350, %dma_start3A_359, %dma_start3A_360] : memref<13x128x64xf32, #tpu.memory_space<vmem>> -> memref<1x128x64xf32, #tpu.memory_space<vmem>>
      %dma_start3A_362 = tpu.memref_squeeze %dma_start3A_361 : memref<1x128x64xf32, #tpu.memory_space<vmem>> -> memref<128x64xf32, #tpu.memory_space<vmem>>
      tpu.enqueue_dma source(%dma_start3A_362 : memref<128x64xf32, #tpu.memory_space<vmem>>) target(%dma_start3A_358 : memref<128x64xf32, #tpu.memory_space<hbm>>) target_semaphore(%arg20 : memref<!tpu.dma_semaphore, #tpu.memory_space<semaphore_mem>>)
      %add3A_363 = arith.constant 13 : i32
      %add3A_364 = arith.addi %add3A_336, %add3A_363 : i32
      %lt3A = arith.constant 26 : i32
      %lt3A_365 = arith.cmpi slt, %add3A_364, %lt3A : i32
      %convert_element_type3A = arith.extui %lt3A_365 : i1 to i32
      %cond3A = arith.constant 0 : i32
      %cond3A_366 = arith.cmpi ne, %convert_element_type3A, %cond3A : i32
      scf.if %cond3A_366 {
        %dma_wait3A_787 = arith.constant 0 : i32
        %dma_wait3A_788 = arith.constant 0 : i32
        %dma_wait3A_789 = arith.constant 0 : i32
        %dma_wait3A_790 = tpu.memref_slice %arg6[%dma_wait3A_787, %dma_wait3A_788, %dma_wait3A_789] : memref<13x128x64xf32, #tpu.memory_space<vmem>> -> memref<1x128x64xf32, #tpu.memory_space<vmem>>
        %dma_wait3A_791 = tpu.memref_squeeze %dma_wait3A_790 : memref<1x128x64xf32, #tpu.memory_space<vmem>> -> memref<128x64xf32, #tpu.memory_space<vmem>>
        %dma_wait3A_792 = arith.constant 0 : i32
        %dma_wait3A_793 = arith.constant 0 : i32
        %dma_wait3A_794 = tpu.memref_slice %arg4[%dma_wait3A_792, %dma_wait3A_793] : memref<106496x64xf32, #tpu.memory_space<hbm>> -> memref<128x64xf32, #tpu.memory_space<hbm>>
        %dma_wait3A_795 = arith.constant 0 : i32
        %dma_wait3A_796 = arith.constant 0 : i32
        %dma_wait3A_797 = tpu.memref_slice %arg4[%dma_wait3A_795, %dma_wait3A_796] : memref<106496x64xf32, #tpu.memory_space<hbm>> -> memref<128x64xf32, #tpu.memory_space<hbm>>
        %dma_wait3A_798 = arith.constant 0 : i32
        %dma_wait3A_799 = arith.constant 0 : i32
        %dma_wait3A_800 = tpu.memref_slice %arg6[%dma_wait3A_787, %dma_wait3A_798, %dma_wait3A_799] : memref<13x128x64xf32, #tpu.memory_space<vmem>> -> memref<1x128x64xf32, #tpu.memory_space<vmem>>
        %dma_wait3A_801 = tpu.memref_squeeze %dma_wait3A_800 : memref<1x128x64xf32, #tpu.memory_space<vmem>> -> memref<128x64xf32, #tpu.memory_space<vmem>>
        tpu.wait_dma2 semaphore(%arg20 : memref<!tpu.dma_semaphore, #tpu.memory_space<semaphore_mem>>) src(%dma_wait3A_801 : memref<128x64xf32, #tpu.memory_space<vmem>>) dst(%dma_wait3A_797 : memref<128x64xf32, #tpu.memory_space<hbm>>)
        %add3A_802 = arith.constant 13 : i32
        %add3A_803 = arith.addi %add3A_336, %add3A_802 : i32
        %mul3A_804 = arith.constant 128 : i32
        %mul3A_805 = arith.muli %add3A_803, %mul3A_804 : i32
        %dma_start3A_806 = arith.constant 0 : i32
        %dma_start3A_807 = arith.constant 0 : i32
        %dma_start3A_808 = arith.constant 0 : i32
        %dma_start3A_809 = tpu.memref_slice %arg6[%dma_start3A_806, %dma_start3A_807, %dma_start3A_808] : memref<13x128x64xf32, #tpu.memory_space<vmem>> -> memref<1x128x64xf32, #tpu.memory_space<vmem>>
        %dma_start3A_810 = tpu.memref_squeeze %dma_start3A_809 : memref<1x128x64xf32, #tpu.memory_space<vmem>> -> memref<128x64xf32, #tpu.memory_space<vmem>>
        %dma_start3A_811 = tpu.memref_slice %arg5[%mul3A_805] : memref<3328xi32, #tpu.memory_space<vmem>> -> memref<128xi32, #tpu.memory_space<vmem>>
        %dma_start3A_812 = arith.constant 0 : i32
        %dma_start3A_813 = arith.constant 0 : i32
        %dma_start3A_814 = tpu.memref_slice %arg2[%dma_start3A_812, %dma_start3A_813] : memref<100000x64xf32, #tpu.memory_space<hbm>> -> memref<100000x64xf32, #tpu.memory_space<hbm>>
        tpu.enqueue_indirect_dma source(%dma_start3A_814 : memref<100000x64xf32, #tpu.memory_space<hbm>>) target(%dma_start3A_810 : memref<128x64xf32, #tpu.memory_space<vmem>>) offsets(%dma_start3A_811 : memref<128xi32, #tpu.memory_space<vmem>>) semaphore(%arg7 : memref<!tpu.dma_semaphore, #tpu.memory_space<semaphore_mem>>)
      } else {
      }
      %add3A_367 = arith.constant 1 : i32
      %add3A_368 = arith.addi %add3A_334, %add3A_367 : i32
      %dma_wait3A_369 = arith.constant 1 : i32
      %dma_wait3A_370 = arith.constant 0 : i32
      %dma_wait3A_371 = arith.constant 0 : i32
      %dma_wait3A_372 = tpu.memref_slice %arg6[%dma_wait3A_369, %dma_wait3A_370, %dma_wait3A_371] : memref<13x128x64xf32, #tpu.memory_space<vmem>> -> memref<1x128x64xf32, #tpu.memory_space<vmem>>
      %dma_wait3A_373 = tpu.memref_squeeze %dma_wait3A_372 : memref<1x128x64xf32, #tpu.memory_space<vmem>> -> memref<128x64xf32, #tpu.memory_space<vmem>>
      %dma_wait3A_374 = arith.constant 0 : i32
      %dma_wait3A_375 = tpu.memref_slice %arg5[%dma_wait3A_374] : memref<3328xi32, #tpu.memory_space<vmem>> -> memref<128xi32, #tpu.memory_space<vmem>>
      %dma_wait3A_376 = arith.constant 0 : i32
      %dma_wait3A_377 = arith.constant 0 : i32
      %dma_wait3A_378 = tpu.memref_slice %arg2[%dma_wait3A_376, %dma_wait3A_377] : memref<100000x64xf32, #tpu.memory_space<hbm>> -> memref<100000x64xf32, #tpu.memory_space<hbm>>
      tpu.wait_indirect_dma semaphore(%arg8 : memref<!tpu.dma_semaphore, #tpu.memory_space<semaphore_mem>>) src(%dma_wait3A_378 : memref<100000x64xf32, #tpu.memory_space<hbm>>) dst(%dma_wait3A_373 : memref<128x64xf32, #tpu.memory_space<vmem>>)
      %mul3A_379 = arith.constant 128 : i32
      %mul3A_380 = arith.muli %add3A_368, %mul3A_379 : i32
      %add3A_381 = arith.addi %mul3A_2, %mul3A_380 : i32
      %dma_start3A_382 = arith.constant 1 : i32
      %dma_start3A_383 = arith.constant 0 : i32
      %dma_start3A_384 = arith.constant 0 : i32
      %dma_start3A_385 = tpu.memref_slice %arg6[%dma_start3A_382, %dma_start3A_383, %dma_start3A_384] : memref<13x128x64xf32, #tpu.memory_space<vmem>> -> memref<1x128x64xf32, #tpu.memory_space<vmem>>
      %dma_start3A_386 = tpu.memref_squeeze %dma_start3A_385 : memref<1x128x64xf32, #tpu.memory_space<vmem>> -> memref<128x64xf32, #tpu.memory_space<vmem>>
      %dma_start3A_387 = arith.constant 0 : i32
      %dma_start3A_388 = tpu.memref_slice %arg4[%add3A_381, %dma_start3A_387] : memref<106496x64xf32, #tpu.memory_space<hbm>> -> memref<128x64xf32, #tpu.memory_space<hbm>>
      %dma_start3A_389 = arith.constant 0 : i32
      %dma_start3A_390 = tpu.memref_slice %arg4[%add3A_381, %dma_start3A_389] : memref<106496x64xf32, #tpu.memory_space<hbm>> -> memref<128x64xf32, #tpu.memory_space<hbm>>
      %dma_start3A_391 = arith.constant 0 : i32
      %dma_start3A_392 = arith.constant 0 : i32
      %dma_start3A_393 = tpu.memref_slice %arg6[%dma_start3A_382, %dma_start3A_391, %dma_start3A_392] : memref<13x128x64xf32, #tpu.memory_space<vmem>> -> memref<1x128x64xf32, #tpu.memory_space<vmem>>
      %dma_start3A_394 = tpu.memref_squeeze %dma_start3A_393 : memref<1x128x64xf32, #tpu.memory_space<vmem>> -> memref<128x64xf32, #tpu.memory_space<vmem>>
      tpu.enqueue_dma source(%dma_start3A_394 : memref<128x64xf32, #tpu.memory_space<vmem>>) target(%dma_start3A_390 : memref<128x64xf32, #tpu.memory_space<hbm>>) target_semaphore(%arg21 : memref<!tpu.dma_semaphore, #tpu.memory_space<semaphore_mem>>)
      %add3A_395 = arith.constant 13 : i32
      %add3A_396 = arith.addi %add3A_368, %add3A_395 : i32
      %lt3A_397 = arith.constant 26 : i32
      %lt3A_398 = arith.cmpi slt, %add3A_396, %lt3A_397 : i32
      %convert_element_type3A_399 = arith.extui %lt3A_398 : i1 to i32
      %cond3A_400 = arith.constant 0 : i32
      %cond3A_401 = arith.cmpi ne, %convert_element_type3A_399, %cond3A_400 : i32
      scf.if %cond3A_401 {
        %dma_wait3A_787 = arith.constant 1 : i32
        %dma_wait3A_788 = arith.constant 0 : i32
        %dma_wait3A_789 = arith.constant 0 : i32
        %dma_wait3A_790 = tpu.memref_slice %arg6[%dma_wait3A_787, %dma_wait3A_788, %dma_wait3A_789] : memref<13x128x64xf32, #tpu.memory_space<vmem>> -> memref<1x128x64xf32, #tpu.memory_space<vmem>>
        %dma_wait3A_791 = tpu.memref_squeeze %dma_wait3A_790 : memref<1x128x64xf32, #tpu.memory_space<vmem>> -> memref<128x64xf32, #tpu.memory_space<vmem>>
        %dma_wait3A_792 = arith.constant 0 : i32
        %dma_wait3A_793 = arith.constant 0 : i32
        %dma_wait3A_794 = tpu.memref_slice %arg4[%dma_wait3A_792, %dma_wait3A_793] : memref<106496x64xf32, #tpu.memory_space<hbm>> -> memref<128x64xf32, #tpu.memory_space<hbm>>
        %dma_wait3A_795 = arith.constant 0 : i32
        %dma_wait3A_796 = arith.constant 0 : i32
        %dma_wait3A_797 = tpu.memref_slice %arg4[%dma_wait3A_795, %dma_wait3A_796] : memref<106496x64xf32, #tpu.memory_space<hbm>> -> memref<128x64xf32, #tpu.memory_space<hbm>>
        %dma_wait3A_798 = arith.constant 0 : i32
        %dma_wait3A_799 = arith.constant 0 : i32
        %dma_wait3A_800 = tpu.memref_slice %arg6[%dma_wait3A_787, %dma_wait3A_798, %dma_wait3A_799] : memref<13x128x64xf32, #tpu.memory_space<vmem>> -> memref<1x128x64xf32, #tpu.memory_space<vmem>>
        %dma_wait3A_801 = tpu.memref_squeeze %dma_wait3A_800 : memref<1x128x64xf32, #tpu.memory_space<vmem>> -> memref<128x64xf32, #tpu.memory_space<vmem>>
        tpu.wait_dma2 semaphore(%arg21 : memref<!tpu.dma_semaphore, #tpu.memory_space<semaphore_mem>>) src(%dma_wait3A_801 : memref<128x64xf32, #tpu.memory_space<vmem>>) dst(%dma_wait3A_797 : memref<128x64xf32, #tpu.memory_space<hbm>>)
        %add3A_802 = arith.constant 13 : i32
        %add3A_803 = arith.addi %add3A_368, %add3A_802 : i32
        %mul3A_804 = arith.constant 128 : i32
        %mul3A_805 = arith.muli %add3A_803, %mul3A_804 : i32
        %dma_start3A_806 = arith.constant 1 : i32
        %dma_start3A_807 = arith.constant 0 : i32
        %dma_start3A_808 = arith.constant 0 : i32
        %dma_start3A_809 = tpu.memref_slice %arg6[%dma_start3A_806, %dma_start3A_807, %dma_start3A_808] : memref<13x128x64xf32, #tpu.memory_space<vmem>> -> memref<1x128x64xf32, #tpu.memory_space<vmem>>
        %dma_start3A_810 = tpu.memref_squeeze %dma_start3A_809 : memref<1x128x64xf32, #tpu.memory_space<vmem>> -> memref<128x64xf32, #tpu.memory_space<vmem>>
        %dma_start3A_811 = tpu.memref_slice %arg5[%mul3A_805] : memref<3328xi32, #tpu.memory_space<vmem>> -> memref<128xi32, #tpu.memory_space<vmem>>
        %dma_start3A_812 = arith.constant 0 : i32
        %dma_start3A_813 = arith.constant 0 : i32
        %dma_start3A_814 = tpu.memref_slice %arg2[%dma_start3A_812, %dma_start3A_813] : memref<100000x64xf32, #tpu.memory_space<hbm>> -> memref<100000x64xf32, #tpu.memory_space<hbm>>
        tpu.enqueue_indirect_dma source(%dma_start3A_814 : memref<100000x64xf32, #tpu.memory_space<hbm>>) target(%dma_start3A_810 : memref<128x64xf32, #tpu.memory_space<vmem>>) offsets(%dma_start3A_811 : memref<128xi32, #tpu.memory_space<vmem>>) semaphore(%arg8 : memref<!tpu.dma_semaphore, #tpu.memory_space<semaphore_mem>>)
      } else {
      }
      %add3A_402 = arith.constant 2 : i32
      %add3A_403 = arith.addi %add3A_334, %add3A_402 : i32
      %dma_wait3A_404 = arith.constant 2 : i32
      %dma_wait3A_405 = arith.constant 0 : i32
      %dma_wait3A_406 = arith.constant 0 : i32
      %dma_wait3A_407 = tpu.memref_slice %arg6[%dma_wait3A_404, %dma_wait3A_405, %dma_wait3A_406] : memref<13x128x64xf32, #tpu.memory_space<vmem>> -> memref<1x128x64xf32, #tpu.memory_space<vmem>>
      %dma_wait3A_408 = tpu.memref_squeeze %dma_wait3A_407 : memref<1x128x64xf32, #tpu.memory_space<vmem>> -> memref<128x64xf32, #tpu.memory_space<vmem>>
      %dma_wait3A_409 = arith.constant 0 : i32
      %dma_wait3A_410 = tpu.memref_slice %arg5[%dma_wait3A_409] : memref<3328xi32, #tpu.memory_space<vmem>> -> memref<128xi32, #tpu.memory_space<vmem>>
      %dma_wait3A_411 = arith.constant 0 : i32
      %dma_wait3A_412 = arith.constant 0 : i32
      %dma_wait3A_413 = tpu.memref_slice %arg2[%dma_wait3A_411, %dma_wait3A_412] : memref<100000x64xf32, #tpu.memory_space<hbm>> -> memref<100000x64xf32, #tpu.memory_space<hbm>>
      tpu.wait_indirect_dma semaphore(%arg9 : memref<!tpu.dma_semaphore, #tpu.memory_space<semaphore_mem>>) src(%dma_wait3A_413 : memref<100000x64xf32, #tpu.memory_space<hbm>>) dst(%dma_wait3A_408 : memref<128x64xf32, #tpu.memory_space<vmem>>)
      %mul3A_414 = arith.constant 128 : i32
      %mul3A_415 = arith.muli %add3A_403, %mul3A_414 : i32
      %add3A_416 = arith.addi %mul3A_2, %mul3A_415 : i32
      %dma_start3A_417 = arith.constant 2 : i32
      %dma_start3A_418 = arith.constant 0 : i32
      %dma_start3A_419 = arith.constant 0 : i32
      %dma_start3A_420 = tpu.memref_slice %arg6[%dma_start3A_417, %dma_start3A_418, %dma_start3A_419] : memref<13x128x64xf32, #tpu.memory_space<vmem>> -> memref<1x128x64xf32, #tpu.memory_space<vmem>>
      %dma_start3A_421 = tpu.memref_squeeze %dma_start3A_420 : memref<1x128x64xf32, #tpu.memory_space<vmem>> -> memref<128x64xf32, #tpu.memory_space<vmem>>
      %dma_start3A_422 = arith.constant 0 : i32
      %dma_start3A_423 = tpu.memref_slice %arg4[%add3A_416, %dma_start3A_422] : memref<106496x64xf32, #tpu.memory_space<hbm>> -> memref<128x64xf32, #tpu.memory_space<hbm>>
      %dma_start3A_424 = arith.constant 0 : i32
      %dma_start3A_425 = tpu.memref_slice %arg4[%add3A_416, %dma_start3A_424] : memref<106496x64xf32, #tpu.memory_space<hbm>> -> memref<128x64xf32, #tpu.memory_space<hbm>>
      %dma_start3A_426 = arith.constant 0 : i32
      %dma_start3A_427 = arith.constant 0 : i32
      %dma_start3A_428 = tpu.memref_slice %arg6[%dma_start3A_417, %dma_start3A_426, %dma_start3A_427] : memref<13x128x64xf32, #tpu.memory_space<vmem>> -> memref<1x128x64xf32, #tpu.memory_space<vmem>>
      %dma_start3A_429 = tpu.memref_squeeze %dma_start3A_428 : memref<1x128x64xf32, #tpu.memory_space<vmem>> -> memref<128x64xf32, #tpu.memory_space<vmem>>
      tpu.enqueue_dma source(%dma_start3A_429 : memref<128x64xf32, #tpu.memory_space<vmem>>) target(%dma_start3A_425 : memref<128x64xf32, #tpu.memory_space<hbm>>) target_semaphore(%arg22 : memref<!tpu.dma_semaphore, #tpu.memory_space<semaphore_mem>>)
      %add3A_430 = arith.constant 13 : i32
      %add3A_431 = arith.addi %add3A_403, %add3A_430 : i32
      %lt3A_432 = arith.constant 26 : i32
      %lt3A_433 = arith.cmpi slt, %add3A_431, %lt3A_432 : i32
      %convert_element_type3A_434 = arith.extui %lt3A_433 : i1 to i32
      %cond3A_435 = arith.constant 0 : i32
      %cond3A_436 = arith.cmpi ne, %convert_element_type3A_434, %cond3A_435 : i32
      scf.if %cond3A_436 {
        %dma_wait3A_787 = arith.constant 2 : i32
        %dma_wait3A_788 = arith.constant 0 : i32
        %dma_wait3A_789 = arith.constant 0 : i32
        %dma_wait3A_790 = tpu.memref_slice %arg6[%dma_wait3A_787, %dma_wait3A_788, %dma_wait3A_789] : memref<13x128x64xf32, #tpu.memory_space<vmem>> -> memref<1x128x64xf32, #tpu.memory_space<vmem>>
        %dma_wait3A_791 = tpu.memref_squeeze %dma_wait3A_790 : memref<1x128x64xf32, #tpu.memory_space<vmem>> -> memref<128x64xf32, #tpu.memory_space<vmem>>
        %dma_wait3A_792 = arith.constant 0 : i32
        %dma_wait3A_793 = arith.constant 0 : i32
        %dma_wait3A_794 = tpu.memref_slice %arg4[%dma_wait3A_792, %dma_wait3A_793] : memref<106496x64xf32, #tpu.memory_space<hbm>> -> memref<128x64xf32, #tpu.memory_space<hbm>>
        %dma_wait3A_795 = arith.constant 0 : i32
        %dma_wait3A_796 = arith.constant 0 : i32
        %dma_wait3A_797 = tpu.memref_slice %arg4[%dma_wait3A_795, %dma_wait3A_796] : memref<106496x64xf32, #tpu.memory_space<hbm>> -> memref<128x64xf32, #tpu.memory_space<hbm>>
        %dma_wait3A_798 = arith.constant 0 : i32
        %dma_wait3A_799 = arith.constant 0 : i32
        %dma_wait3A_800 = tpu.memref_slice %arg6[%dma_wait3A_787, %dma_wait3A_798, %dma_wait3A_799] : memref<13x128x64xf32, #tpu.memory_space<vmem>> -> memref<1x128x64xf32, #tpu.memory_space<vmem>>
        %dma_wait3A_801 = tpu.memref_squeeze %dma_wait3A_800 : memref<1x128x64xf32, #tpu.memory_space<vmem>> -> memref<128x64xf32, #tpu.memory_space<vmem>>
        tpu.wait_dma2 semaphore(%arg22 : memref<!tpu.dma_semaphore, #tpu.memory_space<semaphore_mem>>) src(%dma_wait3A_801 : memref<128x64xf32, #tpu.memory_space<vmem>>) dst(%dma_wait3A_797 : memref<128x64xf32, #tpu.memory_space<hbm>>)
        %add3A_802 = arith.constant 13 : i32
        %add3A_803 = arith.addi %add3A_403, %add3A_802 : i32
        %mul3A_804 = arith.constant 128 : i32
        %mul3A_805 = arith.muli %add3A_803, %mul3A_804 : i32
        %dma_start3A_806 = arith.constant 2 : i32
        %dma_start3A_807 = arith.constant 0 : i32
        %dma_start3A_808 = arith.constant 0 : i32
        %dma_start3A_809 = tpu.memref_slice %arg6[%dma_start3A_806, %dma_start3A_807, %dma_start3A_808] : memref<13x128x64xf32, #tpu.memory_space<vmem>> -> memref<1x128x64xf32, #tpu.memory_space<vmem>>
        %dma_start3A_810 = tpu.memref_squeeze %dma_start3A_809 : memref<1x128x64xf32, #tpu.memory_space<vmem>> -> memref<128x64xf32, #tpu.memory_space<vmem>>
        %dma_start3A_811 = tpu.memref_slice %arg5[%mul3A_805] : memref<3328xi32, #tpu.memory_space<vmem>> -> memref<128xi32, #tpu.memory_space<vmem>>
        %dma_start3A_812 = arith.constant 0 : i32
        %dma_start3A_813 = arith.constant 0 : i32
        %dma_start3A_814 = tpu.memref_slice %arg2[%dma_start3A_812, %dma_start3A_813] : memref<100000x64xf32, #tpu.memory_space<hbm>> -> memref<100000x64xf32, #tpu.memory_space<hbm>>
        tpu.enqueue_indirect_dma source(%dma_start3A_814 : memref<100000x64xf32, #tpu.memory_space<hbm>>) target(%dma_start3A_810 : memref<128x64xf32, #tpu.memory_space<vmem>>) offsets(%dma_start3A_811 : memref<128xi32, #tpu.memory_space<vmem>>) semaphore(%arg9 : memref<!tpu.dma_semaphore, #tpu.memory_space<semaphore_mem>>)
      } else {
      }
      %add3A_437 = arith.constant 3 : i32
      %add3A_438 = arith.addi %add3A_334, %add3A_437 : i32
      %dma_wait3A_439 = arith.constant 3 : i32
      %dma_wait3A_440 = arith.constant 0 : i32
      %dma_wait3A_441 = arith.constant 0 : i32
      %dma_wait3A_442 = tpu.memref_slice %arg6[%dma_wait3A_439, %dma_wait3A_440, %dma_wait3A_441] : memref<13x128x64xf32, #tpu.memory_space<vmem>> -> memref<1x128x64xf32, #tpu.memory_space<vmem>>
      %dma_wait3A_443 = tpu.memref_squeeze %dma_wait3A_442 : memref<1x128x64xf32, #tpu.memory_space<vmem>> -> memref<128x64xf32, #tpu.memory_space<vmem>>
      %dma_wait3A_444 = arith.constant 0 : i32
      %dma_wait3A_445 = tpu.memref_slice %arg5[%dma_wait3A_444] : memref<3328xi32, #tpu.memory_space<vmem>> -> memref<128xi32, #tpu.memory_space<vmem>>
      %dma_wait3A_446 = arith.constant 0 : i32
      %dma_wait3A_447 = arith.constant 0 : i32
      %dma_wait3A_448 = tpu.memref_slice %arg2[%dma_wait3A_446, %dma_wait3A_447] : memref<100000x64xf32, #tpu.memory_space<hbm>> -> memref<100000x64xf32, #tpu.memory_space<hbm>>
      tpu.wait_indirect_dma semaphore(%arg10 : memref<!tpu.dma_semaphore, #tpu.memory_space<semaphore_mem>>) src(%dma_wait3A_448 : memref<100000x64xf32, #tpu.memory_space<hbm>>) dst(%dma_wait3A_443 : memref<128x64xf32, #tpu.memory_space<vmem>>)
      %mul3A_449 = arith.constant 128 : i32
      %mul3A_450 = arith.muli %add3A_438, %mul3A_449 : i32
      %add3A_451 = arith.addi %mul3A_2, %mul3A_450 : i32
      %dma_start3A_452 = arith.constant 3 : i32
      %dma_start3A_453 = arith.constant 0 : i32
      %dma_start3A_454 = arith.constant 0 : i32
      %dma_start3A_455 = tpu.memref_slice %arg6[%dma_start3A_452, %dma_start3A_453, %dma_start3A_454] : memref<13x128x64xf32, #tpu.memory_space<vmem>> -> memref<1x128x64xf32, #tpu.memory_space<vmem>>
      %dma_start3A_456 = tpu.memref_squeeze %dma_start3A_455 : memref<1x128x64xf32, #tpu.memory_space<vmem>> -> memref<128x64xf32, #tpu.memory_space<vmem>>
      %dma_start3A_457 = arith.constant 0 : i32
      %dma_start3A_458 = tpu.memref_slice %arg4[%add3A_451, %dma_start3A_457] : memref<106496x64xf32, #tpu.memory_space<hbm>> -> memref<128x64xf32, #tpu.memory_space<hbm>>
      %dma_start3A_459 = arith.constant 0 : i32
      %dma_start3A_460 = tpu.memref_slice %arg4[%add3A_451, %dma_start3A_459] : memref<106496x64xf32, #tpu.memory_space<hbm>> -> memref<128x64xf32, #tpu.memory_space<hbm>>
      %dma_start3A_461 = arith.constant 0 : i32
      %dma_start3A_462 = arith.constant 0 : i32
      %dma_start3A_463 = tpu.memref_slice %arg6[%dma_start3A_452, %dma_start3A_461, %dma_start3A_462] : memref<13x128x64xf32, #tpu.memory_space<vmem>> -> memref<1x128x64xf32, #tpu.memory_space<vmem>>
      %dma_start3A_464 = tpu.memref_squeeze %dma_start3A_463 : memref<1x128x64xf32, #tpu.memory_space<vmem>> -> memref<128x64xf32, #tpu.memory_space<vmem>>
      tpu.enqueue_dma source(%dma_start3A_464 : memref<128x64xf32, #tpu.memory_space<vmem>>) target(%dma_start3A_460 : memref<128x64xf32, #tpu.memory_space<hbm>>) target_semaphore(%arg23 : memref<!tpu.dma_semaphore, #tpu.memory_space<semaphore_mem>>)
      %add3A_465 = arith.constant 13 : i32
      %add3A_466 = arith.addi %add3A_438, %add3A_465 : i32
      %lt3A_467 = arith.constant 26 : i32
      %lt3A_468 = arith.cmpi slt, %add3A_466, %lt3A_467 : i32
      %convert_element_type3A_469 = arith.extui %lt3A_468 : i1 to i32
      %cond3A_470 = arith.constant 0 : i32
      %cond3A_471 = arith.cmpi ne, %convert_element_type3A_469, %cond3A_470 : i32
      scf.if %cond3A_471 {
        %dma_wait3A_787 = arith.constant 3 : i32
        %dma_wait3A_788 = arith.constant 0 : i32
        %dma_wait3A_789 = arith.constant 0 : i32
        %dma_wait3A_790 = tpu.memref_slice %arg6[%dma_wait3A_787, %dma_wait3A_788, %dma_wait3A_789] : memref<13x128x64xf32, #tpu.memory_space<vmem>> -> memref<1x128x64xf32, #tpu.memory_space<vmem>>
        %dma_wait3A_791 = tpu.memref_squeeze %dma_wait3A_790 : memref<1x128x64xf32, #tpu.memory_space<vmem>> -> memref<128x64xf32, #tpu.memory_space<vmem>>
        %dma_wait3A_792 = arith.constant 0 : i32
        %dma_wait3A_793 = arith.constant 0 : i32
        %dma_wait3A_794 = tpu.memref_slice %arg4[%dma_wait3A_792, %dma_wait3A_793] : memref<106496x64xf32, #tpu.memory_space<hbm>> -> memref<128x64xf32, #tpu.memory_space<hbm>>
        %dma_wait3A_795 = arith.constant 0 : i32
        %dma_wait3A_796 = arith.constant 0 : i32
        %dma_wait3A_797 = tpu.memref_slice %arg4[%dma_wait3A_795, %dma_wait3A_796] : memref<106496x64xf32, #tpu.memory_space<hbm>> -> memref<128x64xf32, #tpu.memory_space<hbm>>
        %dma_wait3A_798 = arith.constant 0 : i32
        %dma_wait3A_799 = arith.constant 0 : i32
        %dma_wait3A_800 = tpu.memref_slice %arg6[%dma_wait3A_787, %dma_wait3A_798, %dma_wait3A_799] : memref<13x128x64xf32, #tpu.memory_space<vmem>> -> memref<1x128x64xf32, #tpu.memory_space<vmem>>
        %dma_wait3A_801 = tpu.memref_squeeze %dma_wait3A_800 : memref<1x128x64xf32, #tpu.memory_space<vmem>> -> memref<128x64xf32, #tpu.memory_space<vmem>>
        tpu.wait_dma2 semaphore(%arg23 : memref<!tpu.dma_semaphore, #tpu.memory_space<semaphore_mem>>) src(%dma_wait3A_801 : memref<128x64xf32, #tpu.memory_space<vmem>>) dst(%dma_wait3A_797 : memref<128x64xf32, #tpu.memory_space<hbm>>)
        %add3A_802 = arith.constant 13 : i32
        %add3A_803 = arith.addi %add3A_438, %add3A_802 : i32
        %mul3A_804 = arith.constant 128 : i32
        %mul3A_805 = arith.muli %add3A_803, %mul3A_804 : i32
        %dma_start3A_806 = arith.constant 3 : i32
        %dma_start3A_807 = arith.constant 0 : i32
        %dma_start3A_808 = arith.constant 0 : i32
        %dma_start3A_809 = tpu.memref_slice %arg6[%dma_start3A_806, %dma_start3A_807, %dma_start3A_808] : memref<13x128x64xf32, #tpu.memory_space<vmem>> -> memref<1x128x64xf32, #tpu.memory_space<vmem>>
        %dma_start3A_810 = tpu.memref_squeeze %dma_start3A_809 : memref<1x128x64xf32, #tpu.memory_space<vmem>> -> memref<128x64xf32, #tpu.memory_space<vmem>>
        %dma_start3A_811 = tpu.memref_slice %arg5[%mul3A_805] : memref<3328xi32, #tpu.memory_space<vmem>> -> memref<128xi32, #tpu.memory_space<vmem>>
        %dma_start3A_812 = arith.constant 0 : i32
        %dma_start3A_813 = arith.constant 0 : i32
        %dma_start3A_814 = tpu.memref_slice %arg2[%dma_start3A_812, %dma_start3A_813] : memref<100000x64xf32, #tpu.memory_space<hbm>> -> memref<100000x64xf32, #tpu.memory_space<hbm>>
        tpu.enqueue_indirect_dma source(%dma_start3A_814 : memref<100000x64xf32, #tpu.memory_space<hbm>>) target(%dma_start3A_810 : memref<128x64xf32, #tpu.memory_space<vmem>>) offsets(%dma_start3A_811 : memref<128xi32, #tpu.memory_space<vmem>>) semaphore(%arg10 : memref<!tpu.dma_semaphore, #tpu.memory_space<semaphore_mem>>)
      } else {
      }
      %add3A_472 = arith.constant 4 : i32
      %add3A_473 = arith.addi %add3A_334, %add3A_472 : i32
      %dma_wait3A_474 = arith.constant 4 : i32
      %dma_wait3A_475 = arith.constant 0 : i32
      %dma_wait3A_476 = arith.constant 0 : i32
      %dma_wait3A_477 = tpu.memref_slice %arg6[%dma_wait3A_474, %dma_wait3A_475, %dma_wait3A_476] : memref<13x128x64xf32, #tpu.memory_space<vmem>> -> memref<1x128x64xf32, #tpu.memory_space<vmem>>
      %dma_wait3A_478 = tpu.memref_squeeze %dma_wait3A_477 : memref<1x128x64xf32, #tpu.memory_space<vmem>> -> memref<128x64xf32, #tpu.memory_space<vmem>>
      %dma_wait3A_479 = arith.constant 0 : i32
      %dma_wait3A_480 = tpu.memref_slice %arg5[%dma_wait3A_479] : memref<3328xi32, #tpu.memory_space<vmem>> -> memref<128xi32, #tpu.memory_space<vmem>>
      %dma_wait3A_481 = arith.constant 0 : i32
      %dma_wait3A_482 = arith.constant 0 : i32
      %dma_wait3A_483 = tpu.memref_slice %arg2[%dma_wait3A_481, %dma_wait3A_482] : memref<100000x64xf32, #tpu.memory_space<hbm>> -> memref<100000x64xf32, #tpu.memory_space<hbm>>
      tpu.wait_indirect_dma semaphore(%arg11 : memref<!tpu.dma_semaphore, #tpu.memory_space<semaphore_mem>>) src(%dma_wait3A_483 : memref<100000x64xf32, #tpu.memory_space<hbm>>) dst(%dma_wait3A_478 : memref<128x64xf32, #tpu.memory_space<vmem>>)
      %mul3A_484 = arith.constant 128 : i32
      %mul3A_485 = arith.muli %add3A_473, %mul3A_484 : i32
      %add3A_486 = arith.addi %mul3A_2, %mul3A_485 : i32
      %dma_start3A_487 = arith.constant 4 : i32
      %dma_start3A_488 = arith.constant 0 : i32
      %dma_start3A_489 = arith.constant 0 : i32
      %dma_start3A_490 = tpu.memref_slice %arg6[%dma_start3A_487, %dma_start3A_488, %dma_start3A_489] : memref<13x128x64xf32, #tpu.memory_space<vmem>> -> memref<1x128x64xf32, #tpu.memory_space<vmem>>
      %dma_start3A_491 = tpu.memref_squeeze %dma_start3A_490 : memref<1x128x64xf32, #tpu.memory_space<vmem>> -> memref<128x64xf32, #tpu.memory_space<vmem>>
      %dma_start3A_492 = arith.constant 0 : i32
      %dma_start3A_493 = tpu.memref_slice %arg4[%add3A_486, %dma_start3A_492] : memref<106496x64xf32, #tpu.memory_space<hbm>> -> memref<128x64xf32, #tpu.memory_space<hbm>>
      %dma_start3A_494 = arith.constant 0 : i32
      %dma_start3A_495 = tpu.memref_slice %arg4[%add3A_486, %dma_start3A_494] : memref<106496x64xf32, #tpu.memory_space<hbm>> -> memref<128x64xf32, #tpu.memory_space<hbm>>
      %dma_start3A_496 = arith.constant 0 : i32
      %dma_start3A_497 = arith.constant 0 : i32
      %dma_start3A_498 = tpu.memref_slice %arg6[%dma_start3A_487, %dma_start3A_496, %dma_start3A_497] : memref<13x128x64xf32, #tpu.memory_space<vmem>> -> memref<1x128x64xf32, #tpu.memory_space<vmem>>
      %dma_start3A_499 = tpu.memref_squeeze %dma_start3A_498 : memref<1x128x64xf32, #tpu.memory_space<vmem>> -> memref<128x64xf32, #tpu.memory_space<vmem>>
      tpu.enqueue_dma source(%dma_start3A_499 : memref<128x64xf32, #tpu.memory_space<vmem>>) target(%dma_start3A_495 : memref<128x64xf32, #tpu.memory_space<hbm>>) target_semaphore(%arg24 : memref<!tpu.dma_semaphore, #tpu.memory_space<semaphore_mem>>)
      %add3A_500 = arith.constant 13 : i32
      %add3A_501 = arith.addi %add3A_473, %add3A_500 : i32
      %lt3A_502 = arith.constant 26 : i32
      %lt3A_503 = arith.cmpi slt, %add3A_501, %lt3A_502 : i32
      %convert_element_type3A_504 = arith.extui %lt3A_503 : i1 to i32
      %cond3A_505 = arith.constant 0 : i32
      %cond3A_506 = arith.cmpi ne, %convert_element_type3A_504, %cond3A_505 : i32
      scf.if %cond3A_506 {
        %dma_wait3A_787 = arith.constant 4 : i32
        %dma_wait3A_788 = arith.constant 0 : i32
        %dma_wait3A_789 = arith.constant 0 : i32
        %dma_wait3A_790 = tpu.memref_slice %arg6[%dma_wait3A_787, %dma_wait3A_788, %dma_wait3A_789] : memref<13x128x64xf32, #tpu.memory_space<vmem>> -> memref<1x128x64xf32, #tpu.memory_space<vmem>>
        %dma_wait3A_791 = tpu.memref_squeeze %dma_wait3A_790 : memref<1x128x64xf32, #tpu.memory_space<vmem>> -> memref<128x64xf32, #tpu.memory_space<vmem>>
        %dma_wait3A_792 = arith.constant 0 : i32
        %dma_wait3A_793 = arith.constant 0 : i32
        %dma_wait3A_794 = tpu.memref_slice %arg4[%dma_wait3A_792, %dma_wait3A_793] : memref<106496x64xf32, #tpu.memory_space<hbm>> -> memref<128x64xf32, #tpu.memory_space<hbm>>
        %dma_wait3A_795 = arith.constant 0 : i32
        %dma_wait3A_796 = arith.constant 0 : i32
        %dma_wait3A_797 = tpu.memref_slice %arg4[%dma_wait3A_795, %dma_wait3A_796] : memref<106496x64xf32, #tpu.memory_space<hbm>> -> memref<128x64xf32, #tpu.memory_space<hbm>>
        %dma_wait3A_798 = arith.constant 0 : i32
        %dma_wait3A_799 = arith.constant 0 : i32
        %dma_wait3A_800 = tpu.memref_slice %arg6[%dma_wait3A_787, %dma_wait3A_798, %dma_wait3A_799] : memref<13x128x64xf32, #tpu.memory_space<vmem>> -> memref<1x128x64xf32, #tpu.memory_space<vmem>>
        %dma_wait3A_801 = tpu.memref_squeeze %dma_wait3A_800 : memref<1x128x64xf32, #tpu.memory_space<vmem>> -> memref<128x64xf32, #tpu.memory_space<vmem>>
        tpu.wait_dma2 semaphore(%arg24 : memref<!tpu.dma_semaphore, #tpu.memory_space<semaphore_mem>>) src(%dma_wait3A_801 : memref<128x64xf32, #tpu.memory_space<vmem>>) dst(%dma_wait3A_797 : memref<128x64xf32, #tpu.memory_space<hbm>>)
        %add3A_802 = arith.constant 13 : i32
        %add3A_803 = arith.addi %add3A_473, %add3A_802 : i32
        %mul3A_804 = arith.constant 128 : i32
        %mul3A_805 = arith.muli %add3A_803, %mul3A_804 : i32
        %dma_start3A_806 = arith.constant 4 : i32
        %dma_start3A_807 = arith.constant 0 : i32
        %dma_start3A_808 = arith.constant 0 : i32
        %dma_start3A_809 = tpu.memref_slice %arg6[%dma_start3A_806, %dma_start3A_807, %dma_start3A_808] : memref<13x128x64xf32, #tpu.memory_space<vmem>> -> memref<1x128x64xf32, #tpu.memory_space<vmem>>
        %dma_start3A_810 = tpu.memref_squeeze %dma_start3A_809 : memref<1x128x64xf32, #tpu.memory_space<vmem>> -> memref<128x64xf32, #tpu.memory_space<vmem>>
        %dma_start3A_811 = tpu.memref_slice %arg5[%mul3A_805] : memref<3328xi32, #tpu.memory_space<vmem>> -> memref<128xi32, #tpu.memory_space<vmem>>
        %dma_start3A_812 = arith.constant 0 : i32
        %dma_start3A_813 = arith.constant 0 : i32
        %dma_start3A_814 = tpu.memref_slice %arg2[%dma_start3A_812, %dma_start3A_813] : memref<100000x64xf32, #tpu.memory_space<hbm>> -> memref<100000x64xf32, #tpu.memory_space<hbm>>
        tpu.enqueue_indirect_dma source(%dma_start3A_814 : memref<100000x64xf32, #tpu.memory_space<hbm>>) target(%dma_start3A_810 : memref<128x64xf32, #tpu.memory_space<vmem>>) offsets(%dma_start3A_811 : memref<128xi32, #tpu.memory_space<vmem>>) semaphore(%arg11 : memref<!tpu.dma_semaphore, #tpu.memory_space<semaphore_mem>>)
      } else {
      }
      %add3A_507 = arith.constant 5 : i32
      %add3A_508 = arith.addi %add3A_334, %add3A_507 : i32
      %dma_wait3A_509 = arith.constant 5 : i32
      %dma_wait3A_510 = arith.constant 0 : i32
      %dma_wait3A_511 = arith.constant 0 : i32
      %dma_wait3A_512 = tpu.memref_slice %arg6[%dma_wait3A_509, %dma_wait3A_510, %dma_wait3A_511] : memref<13x128x64xf32, #tpu.memory_space<vmem>> -> memref<1x128x64xf32, #tpu.memory_space<vmem>>
      %dma_wait3A_513 = tpu.memref_squeeze %dma_wait3A_512 : memref<1x128x64xf32, #tpu.memory_space<vmem>> -> memref<128x64xf32, #tpu.memory_space<vmem>>
      %dma_wait3A_514 = arith.constant 0 : i32
      %dma_wait3A_515 = tpu.memref_slice %arg5[%dma_wait3A_514] : memref<3328xi32, #tpu.memory_space<vmem>> -> memref<128xi32, #tpu.memory_space<vmem>>
      %dma_wait3A_516 = arith.constant 0 : i32
      %dma_wait3A_517 = arith.constant 0 : i32
      %dma_wait3A_518 = tpu.memref_slice %arg2[%dma_wait3A_516, %dma_wait3A_517] : memref<100000x64xf32, #tpu.memory_space<hbm>> -> memref<100000x64xf32, #tpu.memory_space<hbm>>
      tpu.wait_indirect_dma semaphore(%arg12 : memref<!tpu.dma_semaphore, #tpu.memory_space<semaphore_mem>>) src(%dma_wait3A_518 : memref<100000x64xf32, #tpu.memory_space<hbm>>) dst(%dma_wait3A_513 : memref<128x64xf32, #tpu.memory_space<vmem>>)
      %mul3A_519 = arith.constant 128 : i32
      %mul3A_520 = arith.muli %add3A_508, %mul3A_519 : i32
      %add3A_521 = arith.addi %mul3A_2, %mul3A_520 : i32
      %dma_start3A_522 = arith.constant 5 : i32
      %dma_start3A_523 = arith.constant 0 : i32
      %dma_start3A_524 = arith.constant 0 : i32
      %dma_start3A_525 = tpu.memref_slice %arg6[%dma_start3A_522, %dma_start3A_523, %dma_start3A_524] : memref<13x128x64xf32, #tpu.memory_space<vmem>> -> memref<1x128x64xf32, #tpu.memory_space<vmem>>
      %dma_start3A_526 = tpu.memref_squeeze %dma_start3A_525 : memref<1x128x64xf32, #tpu.memory_space<vmem>> -> memref<128x64xf32, #tpu.memory_space<vmem>>
      %dma_start3A_527 = arith.constant 0 : i32
      %dma_start3A_528 = tpu.memref_slice %arg4[%add3A_521, %dma_start3A_527] : memref<106496x64xf32, #tpu.memory_space<hbm>> -> memref<128x64xf32, #tpu.memory_space<hbm>>
      %dma_start3A_529 = arith.constant 0 : i32
      %dma_start3A_530 = tpu.memref_slice %arg4[%add3A_521, %dma_start3A_529] : memref<106496x64xf32, #tpu.memory_space<hbm>> -> memref<128x64xf32, #tpu.memory_space<hbm>>
      %dma_start3A_531 = arith.constant 0 : i32
      %dma_start3A_532 = arith.constant 0 : i32
      %dma_start3A_533 = tpu.memref_slice %arg6[%dma_start3A_522, %dma_start3A_531, %dma_start3A_532] : memref<13x128x64xf32, #tpu.memory_space<vmem>> -> memref<1x128x64xf32, #tpu.memory_space<vmem>>
      %dma_start3A_534 = tpu.memref_squeeze %dma_start3A_533 : memref<1x128x64xf32, #tpu.memory_space<vmem>> -> memref<128x64xf32, #tpu.memory_space<vmem>>
      tpu.enqueue_dma source(%dma_start3A_534 : memref<128x64xf32, #tpu.memory_space<vmem>>) target(%dma_start3A_530 : memref<128x64xf32, #tpu.memory_space<hbm>>) target_semaphore(%arg25 : memref<!tpu.dma_semaphore, #tpu.memory_space<semaphore_mem>>)
      %add3A_535 = arith.constant 13 : i32
      %add3A_536 = arith.addi %add3A_508, %add3A_535 : i32
      %lt3A_537 = arith.constant 26 : i32
      %lt3A_538 = arith.cmpi slt, %add3A_536, %lt3A_537 : i32
      %convert_element_type3A_539 = arith.extui %lt3A_538 : i1 to i32
      %cond3A_540 = arith.constant 0 : i32
      %cond3A_541 = arith.cmpi ne, %convert_element_type3A_539, %cond3A_540 : i32
      scf.if %cond3A_541 {
        %dma_wait3A_787 = arith.constant 5 : i32
        %dma_wait3A_788 = arith.constant 0 : i32
        %dma_wait3A_789 = arith.constant 0 : i32
        %dma_wait3A_790 = tpu.memref_slice %arg6[%dma_wait3A_787, %dma_wait3A_788, %dma_wait3A_789] : memref<13x128x64xf32, #tpu.memory_space<vmem>> -> memref<1x128x64xf32, #tpu.memory_space<vmem>>
        %dma_wait3A_791 = tpu.memref_squeeze %dma_wait3A_790 : memref<1x128x64xf32, #tpu.memory_space<vmem>> -> memref<128x64xf32, #tpu.memory_space<vmem>>
        %dma_wait3A_792 = arith.constant 0 : i32
        %dma_wait3A_793 = arith.constant 0 : i32
        %dma_wait3A_794 = tpu.memref_slice %arg4[%dma_wait3A_792, %dma_wait3A_793] : memref<106496x64xf32, #tpu.memory_space<hbm>> -> memref<128x64xf32, #tpu.memory_space<hbm>>
        %dma_wait3A_795 = arith.constant 0 : i32
        %dma_wait3A_796 = arith.constant 0 : i32
        %dma_wait3A_797 = tpu.memref_slice %arg4[%dma_wait3A_795, %dma_wait3A_796] : memref<106496x64xf32, #tpu.memory_space<hbm>> -> memref<128x64xf32, #tpu.memory_space<hbm>>
        %dma_wait3A_798 = arith.constant 0 : i32
        %dma_wait3A_799 = arith.constant 0 : i32
        %dma_wait3A_800 = tpu.memref_slice %arg6[%dma_wait3A_787, %dma_wait3A_798, %dma_wait3A_799] : memref<13x128x64xf32, #tpu.memory_space<vmem>> -> memref<1x128x64xf32, #tpu.memory_space<vmem>>
        %dma_wait3A_801 = tpu.memref_squeeze %dma_wait3A_800 : memref<1x128x64xf32, #tpu.memory_space<vmem>> -> memref<128x64xf32, #tpu.memory_space<vmem>>
        tpu.wait_dma2 semaphore(%arg25 : memref<!tpu.dma_semaphore, #tpu.memory_space<semaphore_mem>>) src(%dma_wait3A_801 : memref<128x64xf32, #tpu.memory_space<vmem>>) dst(%dma_wait3A_797 : memref<128x64xf32, #tpu.memory_space<hbm>>)
        %add3A_802 = arith.constant 13 : i32
        %add3A_803 = arith.addi %add3A_508, %add3A_802 : i32
        %mul3A_804 = arith.constant 128 : i32
        %mul3A_805 = arith.muli %add3A_803, %mul3A_804 : i32
        %dma_start3A_806 = arith.constant 5 : i32
        %dma_start3A_807 = arith.constant 0 : i32
        %dma_start3A_808 = arith.constant 0 : i32
        %dma_start3A_809 = tpu.memref_slice %arg6[%dma_start3A_806, %dma_start3A_807, %dma_start3A_808] : memref<13x128x64xf32, #tpu.memory_space<vmem>> -> memref<1x128x64xf32, #tpu.memory_space<vmem>>
        %dma_start3A_810 = tpu.memref_squeeze %dma_start3A_809 : memref<1x128x64xf32, #tpu.memory_space<vmem>> -> memref<128x64xf32, #tpu.memory_space<vmem>>
        %dma_start3A_811 = tpu.memref_slice %arg5[%mul3A_805] : memref<3328xi32, #tpu.memory_space<vmem>> -> memref<128xi32, #tpu.memory_space<vmem>>
        %dma_start3A_812 = arith.constant 0 : i32
        %dma_start3A_813 = arith.constant 0 : i32
        %dma_start3A_814 = tpu.memref_slice %arg2[%dma_start3A_812, %dma_start3A_813] : memref<100000x64xf32, #tpu.memory_space<hbm>> -> memref<100000x64xf32, #tpu.memory_space<hbm>>
        tpu.enqueue_indirect_dma source(%dma_start3A_814 : memref<100000x64xf32, #tpu.memory_space<hbm>>) target(%dma_start3A_810 : memref<128x64xf32, #tpu.memory_space<vmem>>) offsets(%dma_start3A_811 : memref<128xi32, #tpu.memory_space<vmem>>) semaphore(%arg12 : memref<!tpu.dma_semaphore, #tpu.memory_space<semaphore_mem>>)
      } else {
      }
      %add3A_542 = arith.constant 6 : i32
      %add3A_543 = arith.addi %add3A_334, %add3A_542 : i32
      %dma_wait3A_544 = arith.constant 6 : i32
      %dma_wait3A_545 = arith.constant 0 : i32
      %dma_wait3A_546 = arith.constant 0 : i32
      %dma_wait3A_547 = tpu.memref_slice %arg6[%dma_wait3A_544, %dma_wait3A_545, %dma_wait3A_546] : memref<13x128x64xf32, #tpu.memory_space<vmem>> -> memref<1x128x64xf32, #tpu.memory_space<vmem>>
      %dma_wait3A_548 = tpu.memref_squeeze %dma_wait3A_547 : memref<1x128x64xf32, #tpu.memory_space<vmem>> -> memref<128x64xf32, #tpu.memory_space<vmem>>
      %dma_wait3A_549 = arith.constant 0 : i32
      %dma_wait3A_550 = tpu.memref_slice %arg5[%dma_wait3A_549] : memref<3328xi32, #tpu.memory_space<vmem>> -> memref<128xi32, #tpu.memory_space<vmem>>
      %dma_wait3A_551 = arith.constant 0 : i32
      %dma_wait3A_552 = arith.constant 0 : i32
      %dma_wait3A_553 = tpu.memref_slice %arg2[%dma_wait3A_551, %dma_wait3A_552] : memref<100000x64xf32, #tpu.memory_space<hbm>> -> memref<100000x64xf32, #tpu.memory_space<hbm>>
      tpu.wait_indirect_dma semaphore(%arg13 : memref<!tpu.dma_semaphore, #tpu.memory_space<semaphore_mem>>) src(%dma_wait3A_553 : memref<100000x64xf32, #tpu.memory_space<hbm>>) dst(%dma_wait3A_548 : memref<128x64xf32, #tpu.memory_space<vmem>>)
      %mul3A_554 = arith.constant 128 : i32
      %mul3A_555 = arith.muli %add3A_543, %mul3A_554 : i32
      %add3A_556 = arith.addi %mul3A_2, %mul3A_555 : i32
      %dma_start3A_557 = arith.constant 6 : i32
      %dma_start3A_558 = arith.constant 0 : i32
      %dma_start3A_559 = arith.constant 0 : i32
      %dma_start3A_560 = tpu.memref_slice %arg6[%dma_start3A_557, %dma_start3A_558, %dma_start3A_559] : memref<13x128x64xf32, #tpu.memory_space<vmem>> -> memref<1x128x64xf32, #tpu.memory_space<vmem>>
      %dma_start3A_561 = tpu.memref_squeeze %dma_start3A_560 : memref<1x128x64xf32, #tpu.memory_space<vmem>> -> memref<128x64xf32, #tpu.memory_space<vmem>>
      %dma_start3A_562 = arith.constant 0 : i32
      %dma_start3A_563 = tpu.memref_slice %arg4[%add3A_556, %dma_start3A_562] : memref<106496x64xf32, #tpu.memory_space<hbm>> -> memref<128x64xf32, #tpu.memory_space<hbm>>
      %dma_start3A_564 = arith.constant 0 : i32
      %dma_start3A_565 = tpu.memref_slice %arg4[%add3A_556, %dma_start3A_564] : memref<106496x64xf32, #tpu.memory_space<hbm>> -> memref<128x64xf32, #tpu.memory_space<hbm>>
      %dma_start3A_566 = arith.constant 0 : i32
      %dma_start3A_567 = arith.constant 0 : i32
      %dma_start3A_568 = tpu.memref_slice %arg6[%dma_start3A_557, %dma_start3A_566, %dma_start3A_567] : memref<13x128x64xf32, #tpu.memory_space<vmem>> -> memref<1x128x64xf32, #tpu.memory_space<vmem>>
      %dma_start3A_569 = tpu.memref_squeeze %dma_start3A_568 : memref<1x128x64xf32, #tpu.memory_space<vmem>> -> memref<128x64xf32, #tpu.memory_space<vmem>>
      tpu.enqueue_dma source(%dma_start3A_569 : memref<128x64xf32, #tpu.memory_space<vmem>>) target(%dma_start3A_565 : memref<128x64xf32, #tpu.memory_space<hbm>>) target_semaphore(%arg26 : memref<!tpu.dma_semaphore, #tpu.memory_space<semaphore_mem>>)
      %add3A_570 = arith.constant 13 : i32
      %add3A_571 = arith.addi %add3A_543, %add3A_570 : i32
      %lt3A_572 = arith.constant 26 : i32
      %lt3A_573 = arith.cmpi slt, %add3A_571, %lt3A_572 : i32
      %convert_element_type3A_574 = arith.extui %lt3A_573 : i1 to i32
      %cond3A_575 = arith.constant 0 : i32
      %cond3A_576 = arith.cmpi ne, %convert_element_type3A_574, %cond3A_575 : i32
      scf.if %cond3A_576 {
        %dma_wait3A_787 = arith.constant 6 : i32
        %dma_wait3A_788 = arith.constant 0 : i32
        %dma_wait3A_789 = arith.constant 0 : i32
        %dma_wait3A_790 = tpu.memref_slice %arg6[%dma_wait3A_787, %dma_wait3A_788, %dma_wait3A_789] : memref<13x128x64xf32, #tpu.memory_space<vmem>> -> memref<1x128x64xf32, #tpu.memory_space<vmem>>
        %dma_wait3A_791 = tpu.memref_squeeze %dma_wait3A_790 : memref<1x128x64xf32, #tpu.memory_space<vmem>> -> memref<128x64xf32, #tpu.memory_space<vmem>>
        %dma_wait3A_792 = arith.constant 0 : i32
        %dma_wait3A_793 = arith.constant 0 : i32
        %dma_wait3A_794 = tpu.memref_slice %arg4[%dma_wait3A_792, %dma_wait3A_793] : memref<106496x64xf32, #tpu.memory_space<hbm>> -> memref<128x64xf32, #tpu.memory_space<hbm>>
        %dma_wait3A_795 = arith.constant 0 : i32
        %dma_wait3A_796 = arith.constant 0 : i32
        %dma_wait3A_797 = tpu.memref_slice %arg4[%dma_wait3A_795, %dma_wait3A_796] : memref<106496x64xf32, #tpu.memory_space<hbm>> -> memref<128x64xf32, #tpu.memory_space<hbm>>
        %dma_wait3A_798 = arith.constant 0 : i32
        %dma_wait3A_799 = arith.constant 0 : i32
        %dma_wait3A_800 = tpu.memref_slice %arg6[%dma_wait3A_787, %dma_wait3A_798, %dma_wait3A_799] : memref<13x128x64xf32, #tpu.memory_space<vmem>> -> memref<1x128x64xf32, #tpu.memory_space<vmem>>
        %dma_wait3A_801 = tpu.memref_squeeze %dma_wait3A_800 : memref<1x128x64xf32, #tpu.memory_space<vmem>> -> memref<128x64xf32, #tpu.memory_space<vmem>>
        tpu.wait_dma2 semaphore(%arg26 : memref<!tpu.dma_semaphore, #tpu.memory_space<semaphore_mem>>) src(%dma_wait3A_801 : memref<128x64xf32, #tpu.memory_space<vmem>>) dst(%dma_wait3A_797 : memref<128x64xf32, #tpu.memory_space<hbm>>)
        %add3A_802 = arith.constant 13 : i32
        %add3A_803 = arith.addi %add3A_543, %add3A_802 : i32
        %mul3A_804 = arith.constant 128 : i32
        %mul3A_805 = arith.muli %add3A_803, %mul3A_804 : i32
        %dma_start3A_806 = arith.constant 6 : i32
        %dma_start3A_807 = arith.constant 0 : i32
        %dma_start3A_808 = arith.constant 0 : i32
        %dma_start3A_809 = tpu.memref_slice %arg6[%dma_start3A_806, %dma_start3A_807, %dma_start3A_808] : memref<13x128x64xf32, #tpu.memory_space<vmem>> -> memref<1x128x64xf32, #tpu.memory_space<vmem>>
        %dma_start3A_810 = tpu.memref_squeeze %dma_start3A_809 : memref<1x128x64xf32, #tpu.memory_space<vmem>> -> memref<128x64xf32, #tpu.memory_space<vmem>>
        %dma_start3A_811 = tpu.memref_slice %arg5[%mul3A_805] : memref<3328xi32, #tpu.memory_space<vmem>> -> memref<128xi32, #tpu.memory_space<vmem>>
        %dma_start3A_812 = arith.constant 0 : i32
        %dma_start3A_813 = arith.constant 0 : i32
        %dma_start3A_814 = tpu.memref_slice %arg2[%dma_start3A_812, %dma_start3A_813] : memref<100000x64xf32, #tpu.memory_space<hbm>> -> memref<100000x64xf32, #tpu.memory_space<hbm>>
        tpu.enqueue_indirect_dma source(%dma_start3A_814 : memref<100000x64xf32, #tpu.memory_space<hbm>>) target(%dma_start3A_810 : memref<128x64xf32, #tpu.memory_space<vmem>>) offsets(%dma_start3A_811 : memref<128xi32, #tpu.memory_space<vmem>>) semaphore(%arg13 : memref<!tpu.dma_semaphore, #tpu.memory_space<semaphore_mem>>)
      } else {
      }
      %add3A_577 = arith.constant 7 : i32
      %add3A_578 = arith.addi %add3A_334, %add3A_577 : i32
      %dma_wait3A_579 = arith.constant 7 : i32
      %dma_wait3A_580 = arith.constant 0 : i32
      %dma_wait3A_581 = arith.constant 0 : i32
      %dma_wait3A_582 = tpu.memref_slice %arg6[%dma_wait3A_579, %dma_wait3A_580, %dma_wait3A_581] : memref<13x128x64xf32, #tpu.memory_space<vmem>> -> memref<1x128x64xf32, #tpu.memory_space<vmem>>
      %dma_wait3A_583 = tpu.memref_squeeze %dma_wait3A_582 : memref<1x128x64xf32, #tpu.memory_space<vmem>> -> memref<128x64xf32, #tpu.memory_space<vmem>>
      %dma_wait3A_584 = arith.constant 0 : i32
      %dma_wait3A_585 = tpu.memref_slice %arg5[%dma_wait3A_584] : memref<3328xi32, #tpu.memory_space<vmem>> -> memref<128xi32, #tpu.memory_space<vmem>>
      %dma_wait3A_586 = arith.constant 0 : i32
      %dma_wait3A_587 = arith.constant 0 : i32
      %dma_wait3A_588 = tpu.memref_slice %arg2[%dma_wait3A_586, %dma_wait3A_587] : memref<100000x64xf32, #tpu.memory_space<hbm>> -> memref<100000x64xf32, #tpu.memory_space<hbm>>
      tpu.wait_indirect_dma semaphore(%arg14 : memref<!tpu.dma_semaphore, #tpu.memory_space<semaphore_mem>>) src(%dma_wait3A_588 : memref<100000x64xf32, #tpu.memory_space<hbm>>) dst(%dma_wait3A_583 : memref<128x64xf32, #tpu.memory_space<vmem>>)
      %mul3A_589 = arith.constant 128 : i32
      %mul3A_590 = arith.muli %add3A_578, %mul3A_589 : i32
      %add3A_591 = arith.addi %mul3A_2, %mul3A_590 : i32
      %dma_start3A_592 = arith.constant 7 : i32
      %dma_start3A_593 = arith.constant 0 : i32
      %dma_start3A_594 = arith.constant 0 : i32
      %dma_start3A_595 = tpu.memref_slice %arg6[%dma_start3A_592, %dma_start3A_593, %dma_start3A_594] : memref<13x128x64xf32, #tpu.memory_space<vmem>> -> memref<1x128x64xf32, #tpu.memory_space<vmem>>
      %dma_start3A_596 = tpu.memref_squeeze %dma_start3A_595 : memref<1x128x64xf32, #tpu.memory_space<vmem>> -> memref<128x64xf32, #tpu.memory_space<vmem>>
      %dma_start3A_597 = arith.constant 0 : i32
      %dma_start3A_598 = tpu.memref_slice %arg4[%add3A_591, %dma_start3A_597] : memref<106496x64xf32, #tpu.memory_space<hbm>> -> memref<128x64xf32, #tpu.memory_space<hbm>>
      %dma_start3A_599 = arith.constant 0 : i32
      %dma_start3A_600 = tpu.memref_slice %arg4[%add3A_591, %dma_start3A_599] : memref<106496x64xf32, #tpu.memory_space<hbm>> -> memref<128x64xf32, #tpu.memory_space<hbm>>
      %dma_start3A_601 = arith.constant 0 : i32
      %dma_start3A_602 = arith.constant 0 : i32
      %dma_start3A_603 = tpu.memref_slice %arg6[%dma_start3A_592, %dma_start3A_601, %dma_start3A_602] : memref<13x128x64xf32, #tpu.memory_space<vmem>> -> memref<1x128x64xf32, #tpu.memory_space<vmem>>
      %dma_start3A_604 = tpu.memref_squeeze %dma_start3A_603 : memref<1x128x64xf32, #tpu.memory_space<vmem>> -> memref<128x64xf32, #tpu.memory_space<vmem>>
      tpu.enqueue_dma source(%dma_start3A_604 : memref<128x64xf32, #tpu.memory_space<vmem>>) target(%dma_start3A_600 : memref<128x64xf32, #tpu.memory_space<hbm>>) target_semaphore(%arg27 : memref<!tpu.dma_semaphore, #tpu.memory_space<semaphore_mem>>)
      %add3A_605 = arith.constant 13 : i32
      %add3A_606 = arith.addi %add3A_578, %add3A_605 : i32
      %lt3A_607 = arith.constant 26 : i32
      %lt3A_608 = arith.cmpi slt, %add3A_606, %lt3A_607 : i32
      %convert_element_type3A_609 = arith.extui %lt3A_608 : i1 to i32
      %cond3A_610 = arith.constant 0 : i32
      %cond3A_611 = arith.cmpi ne, %convert_element_type3A_609, %cond3A_610 : i32
      scf.if %cond3A_611 {
        %dma_wait3A_787 = arith.constant 7 : i32
        %dma_wait3A_788 = arith.constant 0 : i32
        %dma_wait3A_789 = arith.constant 0 : i32
        %dma_wait3A_790 = tpu.memref_slice %arg6[%dma_wait3A_787, %dma_wait3A_788, %dma_wait3A_789] : memref<13x128x64xf32, #tpu.memory_space<vmem>> -> memref<1x128x64xf32, #tpu.memory_space<vmem>>
        %dma_wait3A_791 = tpu.memref_squeeze %dma_wait3A_790 : memref<1x128x64xf32, #tpu.memory_space<vmem>> -> memref<128x64xf32, #tpu.memory_space<vmem>>
        %dma_wait3A_792 = arith.constant 0 : i32
        %dma_wait3A_793 = arith.constant 0 : i32
        %dma_wait3A_794 = tpu.memref_slice %arg4[%dma_wait3A_792, %dma_wait3A_793] : memref<106496x64xf32, #tpu.memory_space<hbm>> -> memref<128x64xf32, #tpu.memory_space<hbm>>
        %dma_wait3A_795 = arith.constant 0 : i32
        %dma_wait3A_796 = arith.constant 0 : i32
        %dma_wait3A_797 = tpu.memref_slice %arg4[%dma_wait3A_795, %dma_wait3A_796] : memref<106496x64xf32, #tpu.memory_space<hbm>> -> memref<128x64xf32, #tpu.memory_space<hbm>>
        %dma_wait3A_798 = arith.constant 0 : i32
        %dma_wait3A_799 = arith.constant 0 : i32
        %dma_wait3A_800 = tpu.memref_slice %arg6[%dma_wait3A_787, %dma_wait3A_798, %dma_wait3A_799] : memref<13x128x64xf32, #tpu.memory_space<vmem>> -> memref<1x128x64xf32, #tpu.memory_space<vmem>>
        %dma_wait3A_801 = tpu.memref_squeeze %dma_wait3A_800 : memref<1x128x64xf32, #tpu.memory_space<vmem>> -> memref<128x64xf32, #tpu.memory_space<vmem>>
        tpu.wait_dma2 semaphore(%arg27 : memref<!tpu.dma_semaphore, #tpu.memory_space<semaphore_mem>>) src(%dma_wait3A_801 : memref<128x64xf32, #tpu.memory_space<vmem>>) dst(%dma_wait3A_797 : memref<128x64xf32, #tpu.memory_space<hbm>>)
        %add3A_802 = arith.constant 13 : i32
        %add3A_803 = arith.addi %add3A_578, %add3A_802 : i32
        %mul3A_804 = arith.constant 128 : i32
        %mul3A_805 = arith.muli %add3A_803, %mul3A_804 : i32
        %dma_start3A_806 = arith.constant 7 : i32
        %dma_start3A_807 = arith.constant 0 : i32
        %dma_start3A_808 = arith.constant 0 : i32
        %dma_start3A_809 = tpu.memref_slice %arg6[%dma_start3A_806, %dma_start3A_807, %dma_start3A_808] : memref<13x128x64xf32, #tpu.memory_space<vmem>> -> memref<1x128x64xf32, #tpu.memory_space<vmem>>
        %dma_start3A_810 = tpu.memref_squeeze %dma_start3A_809 : memref<1x128x64xf32, #tpu.memory_space<vmem>> -> memref<128x64xf32, #tpu.memory_space<vmem>>
        %dma_start3A_811 = tpu.memref_slice %arg5[%mul3A_805] : memref<3328xi32, #tpu.memory_space<vmem>> -> memref<128xi32, #tpu.memory_space<vmem>>
        %dma_start3A_812 = arith.constant 0 : i32
        %dma_start3A_813 = arith.constant 0 : i32
        %dma_start3A_814 = tpu.memref_slice %arg2[%dma_start3A_812, %dma_start3A_813] : memref<100000x64xf32, #tpu.memory_space<hbm>> -> memref<100000x64xf32, #tpu.memory_space<hbm>>
        tpu.enqueue_indirect_dma source(%dma_start3A_814 : memref<100000x64xf32, #tpu.memory_space<hbm>>) target(%dma_start3A_810 : memref<128x64xf32, #tpu.memory_space<vmem>>) offsets(%dma_start3A_811 : memref<128xi32, #tpu.memory_space<vmem>>) semaphore(%arg14 : memref<!tpu.dma_semaphore, #tpu.memory_space<semaphore_mem>>)
      } else {
      }
      %add3A_612 = arith.constant 8 : i32
      %add3A_613 = arith.addi %add3A_334, %add3A_612 : i32
      %dma_wait3A_614 = arith.constant 8 : i32
      %dma_wait3A_615 = arith.constant 0 : i32
      %dma_wait3A_616 = arith.constant 0 : i32
      %dma_wait3A_617 = tpu.memref_slice %arg6[%dma_wait3A_614, %dma_wait3A_615, %dma_wait3A_616] : memref<13x128x64xf32, #tpu.memory_space<vmem>> -> memref<1x128x64xf32, #tpu.memory_space<vmem>>
      %dma_wait3A_618 = tpu.memref_squeeze %dma_wait3A_617 : memref<1x128x64xf32, #tpu.memory_space<vmem>> -> memref<128x64xf32, #tpu.memory_space<vmem>>
      %dma_wait3A_619 = arith.constant 0 : i32
      %dma_wait3A_620 = tpu.memref_slice %arg5[%dma_wait3A_619] : memref<3328xi32, #tpu.memory_space<vmem>> -> memref<128xi32, #tpu.memory_space<vmem>>
      %dma_wait3A_621 = arith.constant 0 : i32
      %dma_wait3A_622 = arith.constant 0 : i32
      %dma_wait3A_623 = tpu.memref_slice %arg2[%dma_wait3A_621, %dma_wait3A_622] : memref<100000x64xf32, #tpu.memory_space<hbm>> -> memref<100000x64xf32, #tpu.memory_space<hbm>>
      tpu.wait_indirect_dma semaphore(%arg15 : memref<!tpu.dma_semaphore, #tpu.memory_space<semaphore_mem>>) src(%dma_wait3A_623 : memref<100000x64xf32, #tpu.memory_space<hbm>>) dst(%dma_wait3A_618 : memref<128x64xf32, #tpu.memory_space<vmem>>)
      %mul3A_624 = arith.constant 128 : i32
      %mul3A_625 = arith.muli %add3A_613, %mul3A_624 : i32
      %add3A_626 = arith.addi %mul3A_2, %mul3A_625 : i32
      %dma_start3A_627 = arith.constant 8 : i32
      %dma_start3A_628 = arith.constant 0 : i32
      %dma_start3A_629 = arith.constant 0 : i32
      %dma_start3A_630 = tpu.memref_slice %arg6[%dma_start3A_627, %dma_start3A_628, %dma_start3A_629] : memref<13x128x64xf32, #tpu.memory_space<vmem>> -> memref<1x128x64xf32, #tpu.memory_space<vmem>>
      %dma_start3A_631 = tpu.memref_squeeze %dma_start3A_630 : memref<1x128x64xf32, #tpu.memory_space<vmem>> -> memref<128x64xf32, #tpu.memory_space<vmem>>
      %dma_start3A_632 = arith.constant 0 : i32
      %dma_start3A_633 = tpu.memref_slice %arg4[%add3A_626, %dma_start3A_632] : memref<106496x64xf32, #tpu.memory_space<hbm>> -> memref<128x64xf32, #tpu.memory_space<hbm>>
      %dma_start3A_634 = arith.constant 0 : i32
      %dma_start3A_635 = tpu.memref_slice %arg4[%add3A_626, %dma_start3A_634] : memref<106496x64xf32, #tpu.memory_space<hbm>> -> memref<128x64xf32, #tpu.memory_space<hbm>>
      %dma_start3A_636 = arith.constant 0 : i32
      %dma_start3A_637 = arith.constant 0 : i32
      %dma_start3A_638 = tpu.memref_slice %arg6[%dma_start3A_627, %dma_start3A_636, %dma_start3A_637] : memref<13x128x64xf32, #tpu.memory_space<vmem>> -> memref<1x128x64xf32, #tpu.memory_space<vmem>>
      %dma_start3A_639 = tpu.memref_squeeze %dma_start3A_638 : memref<1x128x64xf32, #tpu.memory_space<vmem>> -> memref<128x64xf32, #tpu.memory_space<vmem>>
      tpu.enqueue_dma source(%dma_start3A_639 : memref<128x64xf32, #tpu.memory_space<vmem>>) target(%dma_start3A_635 : memref<128x64xf32, #tpu.memory_space<hbm>>) target_semaphore(%arg28 : memref<!tpu.dma_semaphore, #tpu.memory_space<semaphore_mem>>)
      %add3A_640 = arith.constant 13 : i32
      %add3A_641 = arith.addi %add3A_613, %add3A_640 : i32
      %lt3A_642 = arith.constant 26 : i32
      %lt3A_643 = arith.cmpi slt, %add3A_641, %lt3A_642 : i32
      %convert_element_type3A_644 = arith.extui %lt3A_643 : i1 to i32
      %cond3A_645 = arith.constant 0 : i32
      %cond3A_646 = arith.cmpi ne, %convert_element_type3A_644, %cond3A_645 : i32
      scf.if %cond3A_646 {
        %dma_wait3A_787 = arith.constant 8 : i32
        %dma_wait3A_788 = arith.constant 0 : i32
        %dma_wait3A_789 = arith.constant 0 : i32
        %dma_wait3A_790 = tpu.memref_slice %arg6[%dma_wait3A_787, %dma_wait3A_788, %dma_wait3A_789] : memref<13x128x64xf32, #tpu.memory_space<vmem>> -> memref<1x128x64xf32, #tpu.memory_space<vmem>>
        %dma_wait3A_791 = tpu.memref_squeeze %dma_wait3A_790 : memref<1x128x64xf32, #tpu.memory_space<vmem>> -> memref<128x64xf32, #tpu.memory_space<vmem>>
        %dma_wait3A_792 = arith.constant 0 : i32
        %dma_wait3A_793 = arith.constant 0 : i32
        %dma_wait3A_794 = tpu.memref_slice %arg4[%dma_wait3A_792, %dma_wait3A_793] : memref<106496x64xf32, #tpu.memory_space<hbm>> -> memref<128x64xf32, #tpu.memory_space<hbm>>
        %dma_wait3A_795 = arith.constant 0 : i32
        %dma_wait3A_796 = arith.constant 0 : i32
        %dma_wait3A_797 = tpu.memref_slice %arg4[%dma_wait3A_795, %dma_wait3A_796] : memref<106496x64xf32, #tpu.memory_space<hbm>> -> memref<128x64xf32, #tpu.memory_space<hbm>>
        %dma_wait3A_798 = arith.constant 0 : i32
        %dma_wait3A_799 = arith.constant 0 : i32
        %dma_wait3A_800 = tpu.memref_slice %arg6[%dma_wait3A_787, %dma_wait3A_798, %dma_wait3A_799] : memref<13x128x64xf32, #tpu.memory_space<vmem>> -> memref<1x128x64xf32, #tpu.memory_space<vmem>>
        %dma_wait3A_801 = tpu.memref_squeeze %dma_wait3A_800 : memref<1x128x64xf32, #tpu.memory_space<vmem>> -> memref<128x64xf32, #tpu.memory_space<vmem>>
        tpu.wait_dma2 semaphore(%arg28 : memref<!tpu.dma_semaphore, #tpu.memory_space<semaphore_mem>>) src(%dma_wait3A_801 : memref<128x64xf32, #tpu.memory_space<vmem>>) dst(%dma_wait3A_797 : memref<128x64xf32, #tpu.memory_space<hbm>>)
        %add3A_802 = arith.constant 13 : i32
        %add3A_803 = arith.addi %add3A_613, %add3A_802 : i32
        %mul3A_804 = arith.constant 128 : i32
        %mul3A_805 = arith.muli %add3A_803, %mul3A_804 : i32
        %dma_start3A_806 = arith.constant 8 : i32
        %dma_start3A_807 = arith.constant 0 : i32
        %dma_start3A_808 = arith.constant 0 : i32
        %dma_start3A_809 = tpu.memref_slice %arg6[%dma_start3A_806, %dma_start3A_807, %dma_start3A_808] : memref<13x128x64xf32, #tpu.memory_space<vmem>> -> memref<1x128x64xf32, #tpu.memory_space<vmem>>
        %dma_start3A_810 = tpu.memref_squeeze %dma_start3A_809 : memref<1x128x64xf32, #tpu.memory_space<vmem>> -> memref<128x64xf32, #tpu.memory_space<vmem>>
        %dma_start3A_811 = tpu.memref_slice %arg5[%mul3A_805] : memref<3328xi32, #tpu.memory_space<vmem>> -> memref<128xi32, #tpu.memory_space<vmem>>
        %dma_start3A_812 = arith.constant 0 : i32
        %dma_start3A_813 = arith.constant 0 : i32
        %dma_start3A_814 = tpu.memref_slice %arg2[%dma_start3A_812, %dma_start3A_813] : memref<100000x64xf32, #tpu.memory_space<hbm>> -> memref<100000x64xf32, #tpu.memory_space<hbm>>
        tpu.enqueue_indirect_dma source(%dma_start3A_814 : memref<100000x64xf32, #tpu.memory_space<hbm>>) target(%dma_start3A_810 : memref<128x64xf32, #tpu.memory_space<vmem>>) offsets(%dma_start3A_811 : memref<128xi32, #tpu.memory_space<vmem>>) semaphore(%arg15 : memref<!tpu.dma_semaphore, #tpu.memory_space<semaphore_mem>>)
      } else {
      }
      %add3A_647 = arith.constant 9 : i32
      %add3A_648 = arith.addi %add3A_334, %add3A_647 : i32
      %dma_wait3A_649 = arith.constant 9 : i32
      %dma_wait3A_650 = arith.constant 0 : i32
      %dma_wait3A_651 = arith.constant 0 : i32
      %dma_wait3A_652 = tpu.memref_slice %arg6[%dma_wait3A_649, %dma_wait3A_650, %dma_wait3A_651] : memref<13x128x64xf32, #tpu.memory_space<vmem>> -> memref<1x128x64xf32, #tpu.memory_space<vmem>>
      %dma_wait3A_653 = tpu.memref_squeeze %dma_wait3A_652 : memref<1x128x64xf32, #tpu.memory_space<vmem>> -> memref<128x64xf32, #tpu.memory_space<vmem>>
      %dma_wait3A_654 = arith.constant 0 : i32
      %dma_wait3A_655 = tpu.memref_slice %arg5[%dma_wait3A_654] : memref<3328xi32, #tpu.memory_space<vmem>> -> memref<128xi32, #tpu.memory_space<vmem>>
      %dma_wait3A_656 = arith.constant 0 : i32
      %dma_wait3A_657 = arith.constant 0 : i32
      %dma_wait3A_658 = tpu.memref_slice %arg2[%dma_wait3A_656, %dma_wait3A_657] : memref<100000x64xf32, #tpu.memory_space<hbm>> -> memref<100000x64xf32, #tpu.memory_space<hbm>>
      tpu.wait_indirect_dma semaphore(%arg16 : memref<!tpu.dma_semaphore, #tpu.memory_space<semaphore_mem>>) src(%dma_wait3A_658 : memref<100000x64xf32, #tpu.memory_space<hbm>>) dst(%dma_wait3A_653 : memref<128x64xf32, #tpu.memory_space<vmem>>)
      %mul3A_659 = arith.constant 128 : i32
      %mul3A_660 = arith.muli %add3A_648, %mul3A_659 : i32
      %add3A_661 = arith.addi %mul3A_2, %mul3A_660 : i32
      %dma_start3A_662 = arith.constant 9 : i32
      %dma_start3A_663 = arith.constant 0 : i32
      %dma_start3A_664 = arith.constant 0 : i32
      %dma_start3A_665 = tpu.memref_slice %arg6[%dma_start3A_662, %dma_start3A_663, %dma_start3A_664] : memref<13x128x64xf32, #tpu.memory_space<vmem>> -> memref<1x128x64xf32, #tpu.memory_space<vmem>>
      %dma_start3A_666 = tpu.memref_squeeze %dma_start3A_665 : memref<1x128x64xf32, #tpu.memory_space<vmem>> -> memref<128x64xf32, #tpu.memory_space<vmem>>
      %dma_start3A_667 = arith.constant 0 : i32
      %dma_start3A_668 = tpu.memref_slice %arg4[%add3A_661, %dma_start3A_667] : memref<106496x64xf32, #tpu.memory_space<hbm>> -> memref<128x64xf32, #tpu.memory_space<hbm>>
      %dma_start3A_669 = arith.constant 0 : i32
      %dma_start3A_670 = tpu.memref_slice %arg4[%add3A_661, %dma_start3A_669] : memref<106496x64xf32, #tpu.memory_space<hbm>> -> memref<128x64xf32, #tpu.memory_space<hbm>>
      %dma_start3A_671 = arith.constant 0 : i32
      %dma_start3A_672 = arith.constant 0 : i32
      %dma_start3A_673 = tpu.memref_slice %arg6[%dma_start3A_662, %dma_start3A_671, %dma_start3A_672] : memref<13x128x64xf32, #tpu.memory_space<vmem>> -> memref<1x128x64xf32, #tpu.memory_space<vmem>>
      %dma_start3A_674 = tpu.memref_squeeze %dma_start3A_673 : memref<1x128x64xf32, #tpu.memory_space<vmem>> -> memref<128x64xf32, #tpu.memory_space<vmem>>
      tpu.enqueue_dma source(%dma_start3A_674 : memref<128x64xf32, #tpu.memory_space<vmem>>) target(%dma_start3A_670 : memref<128x64xf32, #tpu.memory_space<hbm>>) target_semaphore(%arg29 : memref<!tpu.dma_semaphore, #tpu.memory_space<semaphore_mem>>)
      %add3A_675 = arith.constant 13 : i32
      %add3A_676 = arith.addi %add3A_648, %add3A_675 : i32
      %lt3A_677 = arith.constant 26 : i32
      %lt3A_678 = arith.cmpi slt, %add3A_676, %lt3A_677 : i32
      %convert_element_type3A_679 = arith.extui %lt3A_678 : i1 to i32
      %cond3A_680 = arith.constant 0 : i32
      %cond3A_681 = arith.cmpi ne, %convert_element_type3A_679, %cond3A_680 : i32
      scf.if %cond3A_681 {
        %dma_wait3A_787 = arith.constant 9 : i32
        %dma_wait3A_788 = arith.constant 0 : i32
        %dma_wait3A_789 = arith.constant 0 : i32
        %dma_wait3A_790 = tpu.memref_slice %arg6[%dma_wait3A_787, %dma_wait3A_788, %dma_wait3A_789] : memref<13x128x64xf32, #tpu.memory_space<vmem>> -> memref<1x128x64xf32, #tpu.memory_space<vmem>>
        %dma_wait3A_791 = tpu.memref_squeeze %dma_wait3A_790 : memref<1x128x64xf32, #tpu.memory_space<vmem>> -> memref<128x64xf32, #tpu.memory_space<vmem>>
        %dma_wait3A_792 = arith.constant 0 : i32
        %dma_wait3A_793 = arith.constant 0 : i32
        %dma_wait3A_794 = tpu.memref_slice %arg4[%dma_wait3A_792, %dma_wait3A_793] : memref<106496x64xf32, #tpu.memory_space<hbm>> -> memref<128x64xf32, #tpu.memory_space<hbm>>
        %dma_wait3A_795 = arith.constant 0 : i32
        %dma_wait3A_796 = arith.constant 0 : i32
        %dma_wait3A_797 = tpu.memref_slice %arg4[%dma_wait3A_795, %dma_wait3A_796] : memref<106496x64xf32, #tpu.memory_space<hbm>> -> memref<128x64xf32, #tpu.memory_space<hbm>>
        %dma_wait3A_798 = arith.constant 0 : i32
        %dma_wait3A_799 = arith.constant 0 : i32
        %dma_wait3A_800 = tpu.memref_slice %arg6[%dma_wait3A_787, %dma_wait3A_798, %dma_wait3A_799] : memref<13x128x64xf32, #tpu.memory_space<vmem>> -> memref<1x128x64xf32, #tpu.memory_space<vmem>>
        %dma_wait3A_801 = tpu.memref_squeeze %dma_wait3A_800 : memref<1x128x64xf32, #tpu.memory_space<vmem>> -> memref<128x64xf32, #tpu.memory_space<vmem>>
        tpu.wait_dma2 semaphore(%arg29 : memref<!tpu.dma_semaphore, #tpu.memory_space<semaphore_mem>>) src(%dma_wait3A_801 : memref<128x64xf32, #tpu.memory_space<vmem>>) dst(%dma_wait3A_797 : memref<128x64xf32, #tpu.memory_space<hbm>>)
        %add3A_802 = arith.constant 13 : i32
        %add3A_803 = arith.addi %add3A_648, %add3A_802 : i32
        %mul3A_804 = arith.constant 128 : i32
        %mul3A_805 = arith.muli %add3A_803, %mul3A_804 : i32
        %dma_start3A_806 = arith.constant 9 : i32
        %dma_start3A_807 = arith.constant 0 : i32
        %dma_start3A_808 = arith.constant 0 : i32
        %dma_start3A_809 = tpu.memref_slice %arg6[%dma_start3A_806, %dma_start3A_807, %dma_start3A_808] : memref<13x128x64xf32, #tpu.memory_space<vmem>> -> memref<1x128x64xf32, #tpu.memory_space<vmem>>
        %dma_start3A_810 = tpu.memref_squeeze %dma_start3A_809 : memref<1x128x64xf32, #tpu.memory_space<vmem>> -> memref<128x64xf32, #tpu.memory_space<vmem>>
        %dma_start3A_811 = tpu.memref_slice %arg5[%mul3A_805] : memref<3328xi32, #tpu.memory_space<vmem>> -> memref<128xi32, #tpu.memory_space<vmem>>
        %dma_start3A_812 = arith.constant 0 : i32
        %dma_start3A_813 = arith.constant 0 : i32
        %dma_start3A_814 = tpu.memref_slice %arg2[%dma_start3A_812, %dma_start3A_813] : memref<100000x64xf32, #tpu.memory_space<hbm>> -> memref<100000x64xf32, #tpu.memory_space<hbm>>
        tpu.enqueue_indirect_dma source(%dma_start3A_814 : memref<100000x64xf32, #tpu.memory_space<hbm>>) target(%dma_start3A_810 : memref<128x64xf32, #tpu.memory_space<vmem>>) offsets(%dma_start3A_811 : memref<128xi32, #tpu.memory_space<vmem>>) semaphore(%arg16 : memref<!tpu.dma_semaphore, #tpu.memory_space<semaphore_mem>>)
      } else {
      }
      %add3A_682 = arith.constant 10 : i32
      %add3A_683 = arith.addi %add3A_334, %add3A_682 : i32
      %dma_wait3A_684 = arith.constant 10 : i32
      %dma_wait3A_685 = arith.constant 0 : i32
      %dma_wait3A_686 = arith.constant 0 : i32
      %dma_wait3A_687 = tpu.memref_slice %arg6[%dma_wait3A_684, %dma_wait3A_685, %dma_wait3A_686] : memref<13x128x64xf32, #tpu.memory_space<vmem>> -> memref<1x128x64xf32, #tpu.memory_space<vmem>>
      %dma_wait3A_688 = tpu.memref_squeeze %dma_wait3A_687 : memref<1x128x64xf32, #tpu.memory_space<vmem>> -> memref<128x64xf32, #tpu.memory_space<vmem>>
      %dma_wait3A_689 = arith.constant 0 : i32
      %dma_wait3A_690 = tpu.memref_slice %arg5[%dma_wait3A_689] : memref<3328xi32, #tpu.memory_space<vmem>> -> memref<128xi32, #tpu.memory_space<vmem>>
      %dma_wait3A_691 = arith.constant 0 : i32
      %dma_wait3A_692 = arith.constant 0 : i32
      %dma_wait3A_693 = tpu.memref_slice %arg2[%dma_wait3A_691, %dma_wait3A_692] : memref<100000x64xf32, #tpu.memory_space<hbm>> -> memref<100000x64xf32, #tpu.memory_space<hbm>>
      tpu.wait_indirect_dma semaphore(%arg17 : memref<!tpu.dma_semaphore, #tpu.memory_space<semaphore_mem>>) src(%dma_wait3A_693 : memref<100000x64xf32, #tpu.memory_space<hbm>>) dst(%dma_wait3A_688 : memref<128x64xf32, #tpu.memory_space<vmem>>)
      %mul3A_694 = arith.constant 128 : i32
      %mul3A_695 = arith.muli %add3A_683, %mul3A_694 : i32
      %add3A_696 = arith.addi %mul3A_2, %mul3A_695 : i32
      %dma_start3A_697 = arith.constant 10 : i32
      %dma_start3A_698 = arith.constant 0 : i32
      %dma_start3A_699 = arith.constant 0 : i32
      %dma_start3A_700 = tpu.memref_slice %arg6[%dma_start3A_697, %dma_start3A_698, %dma_start3A_699] : memref<13x128x64xf32, #tpu.memory_space<vmem>> -> memref<1x128x64xf32, #tpu.memory_space<vmem>>
      %dma_start3A_701 = tpu.memref_squeeze %dma_start3A_700 : memref<1x128x64xf32, #tpu.memory_space<vmem>> -> memref<128x64xf32, #tpu.memory_space<vmem>>
      %dma_start3A_702 = arith.constant 0 : i32
      %dma_start3A_703 = tpu.memref_slice %arg4[%add3A_696, %dma_start3A_702] : memref<106496x64xf32, #tpu.memory_space<hbm>> -> memref<128x64xf32, #tpu.memory_space<hbm>>
      %dma_start3A_704 = arith.constant 0 : i32
      %dma_start3A_705 = tpu.memref_slice %arg4[%add3A_696, %dma_start3A_704] : memref<106496x64xf32, #tpu.memory_space<hbm>> -> memref<128x64xf32, #tpu.memory_space<hbm>>
      %dma_start3A_706 = arith.constant 0 : i32
      %dma_start3A_707 = arith.constant 0 : i32
      %dma_start3A_708 = tpu.memref_slice %arg6[%dma_start3A_697, %dma_start3A_706, %dma_start3A_707] : memref<13x128x64xf32, #tpu.memory_space<vmem>> -> memref<1x128x64xf32, #tpu.memory_space<vmem>>
      %dma_start3A_709 = tpu.memref_squeeze %dma_start3A_708 : memref<1x128x64xf32, #tpu.memory_space<vmem>> -> memref<128x64xf32, #tpu.memory_space<vmem>>
      tpu.enqueue_dma source(%dma_start3A_709 : memref<128x64xf32, #tpu.memory_space<vmem>>) target(%dma_start3A_705 : memref<128x64xf32, #tpu.memory_space<hbm>>) target_semaphore(%arg30 : memref<!tpu.dma_semaphore, #tpu.memory_space<semaphore_mem>>)
      %add3A_710 = arith.constant 13 : i32
      %add3A_711 = arith.addi %add3A_683, %add3A_710 : i32
      %lt3A_712 = arith.constant 26 : i32
      %lt3A_713 = arith.cmpi slt, %add3A_711, %lt3A_712 : i32
      %convert_element_type3A_714 = arith.extui %lt3A_713 : i1 to i32
      %cond3A_715 = arith.constant 0 : i32
      %cond3A_716 = arith.cmpi ne, %convert_element_type3A_714, %cond3A_715 : i32
      scf.if %cond3A_716 {
        %dma_wait3A_787 = arith.constant 10 : i32
        %dma_wait3A_788 = arith.constant 0 : i32
        %dma_wait3A_789 = arith.constant 0 : i32
        %dma_wait3A_790 = tpu.memref_slice %arg6[%dma_wait3A_787, %dma_wait3A_788, %dma_wait3A_789] : memref<13x128x64xf32, #tpu.memory_space<vmem>> -> memref<1x128x64xf32, #tpu.memory_space<vmem>>
        %dma_wait3A_791 = tpu.memref_squeeze %dma_wait3A_790 : memref<1x128x64xf32, #tpu.memory_space<vmem>> -> memref<128x64xf32, #tpu.memory_space<vmem>>
        %dma_wait3A_792 = arith.constant 0 : i32
        %dma_wait3A_793 = arith.constant 0 : i32
        %dma_wait3A_794 = tpu.memref_slice %arg4[%dma_wait3A_792, %dma_wait3A_793] : memref<106496x64xf32, #tpu.memory_space<hbm>> -> memref<128x64xf32, #tpu.memory_space<hbm>>
        %dma_wait3A_795 = arith.constant 0 : i32
        %dma_wait3A_796 = arith.constant 0 : i32
        %dma_wait3A_797 = tpu.memref_slice %arg4[%dma_wait3A_795, %dma_wait3A_796] : memref<106496x64xf32, #tpu.memory_space<hbm>> -> memref<128x64xf32, #tpu.memory_space<hbm>>
        %dma_wait3A_798 = arith.constant 0 : i32
        %dma_wait3A_799 = arith.constant 0 : i32
        %dma_wait3A_800 = tpu.memref_slice %arg6[%dma_wait3A_787, %dma_wait3A_798, %dma_wait3A_799] : memref<13x128x64xf32, #tpu.memory_space<vmem>> -> memref<1x128x64xf32, #tpu.memory_space<vmem>>
        %dma_wait3A_801 = tpu.memref_squeeze %dma_wait3A_800 : memref<1x128x64xf32, #tpu.memory_space<vmem>> -> memref<128x64xf32, #tpu.memory_space<vmem>>
        tpu.wait_dma2 semaphore(%arg30 : memref<!tpu.dma_semaphore, #tpu.memory_space<semaphore_mem>>) src(%dma_wait3A_801 : memref<128x64xf32, #tpu.memory_space<vmem>>) dst(%dma_wait3A_797 : memref<128x64xf32, #tpu.memory_space<hbm>>)
        %add3A_802 = arith.constant 13 : i32
        %add3A_803 = arith.addi %add3A_683, %add3A_802 : i32
        %mul3A_804 = arith.constant 128 : i32
        %mul3A_805 = arith.muli %add3A_803, %mul3A_804 : i32
        %dma_start3A_806 = arith.constant 10 : i32
        %dma_start3A_807 = arith.constant 0 : i32
        %dma_start3A_808 = arith.constant 0 : i32
        %dma_start3A_809 = tpu.memref_slice %arg6[%dma_start3A_806, %dma_start3A_807, %dma_start3A_808] : memref<13x128x64xf32, #tpu.memory_space<vmem>> -> memref<1x128x64xf32, #tpu.memory_space<vmem>>
        %dma_start3A_810 = tpu.memref_squeeze %dma_start3A_809 : memref<1x128x64xf32, #tpu.memory_space<vmem>> -> memref<128x64xf32, #tpu.memory_space<vmem>>
        %dma_start3A_811 = tpu.memref_slice %arg5[%mul3A_805] : memref<3328xi32, #tpu.memory_space<vmem>> -> memref<128xi32, #tpu.memory_space<vmem>>
        %dma_start3A_812 = arith.constant 0 : i32
        %dma_start3A_813 = arith.constant 0 : i32
        %dma_start3A_814 = tpu.memref_slice %arg2[%dma_start3A_812, %dma_start3A_813] : memref<100000x64xf32, #tpu.memory_space<hbm>> -> memref<100000x64xf32, #tpu.memory_space<hbm>>
        tpu.enqueue_indirect_dma source(%dma_start3A_814 : memref<100000x64xf32, #tpu.memory_space<hbm>>) target(%dma_start3A_810 : memref<128x64xf32, #tpu.memory_space<vmem>>) offsets(%dma_start3A_811 : memref<128xi32, #tpu.memory_space<vmem>>) semaphore(%arg17 : memref<!tpu.dma_semaphore, #tpu.memory_space<semaphore_mem>>)
      } else {
      }
      %add3A_717 = arith.constant 11 : i32
      %add3A_718 = arith.addi %add3A_334, %add3A_717 : i32
      %dma_wait3A_719 = arith.constant 11 : i32
      %dma_wait3A_720 = arith.constant 0 : i32
      %dma_wait3A_721 = arith.constant 0 : i32
      %dma_wait3A_722 = tpu.memref_slice %arg6[%dma_wait3A_719, %dma_wait3A_720, %dma_wait3A_721] : memref<13x128x64xf32, #tpu.memory_space<vmem>> -> memref<1x128x64xf32, #tpu.memory_space<vmem>>
      %dma_wait3A_723 = tpu.memref_squeeze %dma_wait3A_722 : memref<1x128x64xf32, #tpu.memory_space<vmem>> -> memref<128x64xf32, #tpu.memory_space<vmem>>
      %dma_wait3A_724 = arith.constant 0 : i32
      %dma_wait3A_725 = tpu.memref_slice %arg5[%dma_wait3A_724] : memref<3328xi32, #tpu.memory_space<vmem>> -> memref<128xi32, #tpu.memory_space<vmem>>
      %dma_wait3A_726 = arith.constant 0 : i32
      %dma_wait3A_727 = arith.constant 0 : i32
      %dma_wait3A_728 = tpu.memref_slice %arg2[%dma_wait3A_726, %dma_wait3A_727] : memref<100000x64xf32, #tpu.memory_space<hbm>> -> memref<100000x64xf32, #tpu.memory_space<hbm>>
      tpu.wait_indirect_dma semaphore(%arg18 : memref<!tpu.dma_semaphore, #tpu.memory_space<semaphore_mem>>) src(%dma_wait3A_728 : memref<100000x64xf32, #tpu.memory_space<hbm>>) dst(%dma_wait3A_723 : memref<128x64xf32, #tpu.memory_space<vmem>>)
      %mul3A_729 = arith.constant 128 : i32
      %mul3A_730 = arith.muli %add3A_718, %mul3A_729 : i32
      %add3A_731 = arith.addi %mul3A_2, %mul3A_730 : i32
      %dma_start3A_732 = arith.constant 11 : i32
      %dma_start3A_733 = arith.constant 0 : i32
      %dma_start3A_734 = arith.constant 0 : i32
      %dma_start3A_735 = tpu.memref_slice %arg6[%dma_start3A_732, %dma_start3A_733, %dma_start3A_734] : memref<13x128x64xf32, #tpu.memory_space<vmem>> -> memref<1x128x64xf32, #tpu.memory_space<vmem>>
      %dma_start3A_736 = tpu.memref_squeeze %dma_start3A_735 : memref<1x128x64xf32, #tpu.memory_space<vmem>> -> memref<128x64xf32, #tpu.memory_space<vmem>>
      %dma_start3A_737 = arith.constant 0 : i32
      %dma_start3A_738 = tpu.memref_slice %arg4[%add3A_731, %dma_start3A_737] : memref<106496x64xf32, #tpu.memory_space<hbm>> -> memref<128x64xf32, #tpu.memory_space<hbm>>
      %dma_start3A_739 = arith.constant 0 : i32
      %dma_start3A_740 = tpu.memref_slice %arg4[%add3A_731, %dma_start3A_739] : memref<106496x64xf32, #tpu.memory_space<hbm>> -> memref<128x64xf32, #tpu.memory_space<hbm>>
      %dma_start3A_741 = arith.constant 0 : i32
      %dma_start3A_742 = arith.constant 0 : i32
      %dma_start3A_743 = tpu.memref_slice %arg6[%dma_start3A_732, %dma_start3A_741, %dma_start3A_742] : memref<13x128x64xf32, #tpu.memory_space<vmem>> -> memref<1x128x64xf32, #tpu.memory_space<vmem>>
      %dma_start3A_744 = tpu.memref_squeeze %dma_start3A_743 : memref<1x128x64xf32, #tpu.memory_space<vmem>> -> memref<128x64xf32, #tpu.memory_space<vmem>>
      tpu.enqueue_dma source(%dma_start3A_744 : memref<128x64xf32, #tpu.memory_space<vmem>>) target(%dma_start3A_740 : memref<128x64xf32, #tpu.memory_space<hbm>>) target_semaphore(%arg31 : memref<!tpu.dma_semaphore, #tpu.memory_space<semaphore_mem>>)
      %add3A_745 = arith.constant 13 : i32
      %add3A_746 = arith.addi %add3A_718, %add3A_745 : i32
      %lt3A_747 = arith.constant 26 : i32
      %lt3A_748 = arith.cmpi slt, %add3A_746, %lt3A_747 : i32
      %convert_element_type3A_749 = arith.extui %lt3A_748 : i1 to i32
      %cond3A_750 = arith.constant 0 : i32
      %cond3A_751 = arith.cmpi ne, %convert_element_type3A_749, %cond3A_750 : i32
      scf.if %cond3A_751 {
        %dma_wait3A_787 = arith.constant 11 : i32
        %dma_wait3A_788 = arith.constant 0 : i32
        %dma_wait3A_789 = arith.constant 0 : i32
        %dma_wait3A_790 = tpu.memref_slice %arg6[%dma_wait3A_787, %dma_wait3A_788, %dma_wait3A_789] : memref<13x128x64xf32, #tpu.memory_space<vmem>> -> memref<1x128x64xf32, #tpu.memory_space<vmem>>
        %dma_wait3A_791 = tpu.memref_squeeze %dma_wait3A_790 : memref<1x128x64xf32, #tpu.memory_space<vmem>> -> memref<128x64xf32, #tpu.memory_space<vmem>>
        %dma_wait3A_792 = arith.constant 0 : i32
        %dma_wait3A_793 = arith.constant 0 : i32
        %dma_wait3A_794 = tpu.memref_slice %arg4[%dma_wait3A_792, %dma_wait3A_793] : memref<106496x64xf32, #tpu.memory_space<hbm>> -> memref<128x64xf32, #tpu.memory_space<hbm>>
        %dma_wait3A_795 = arith.constant 0 : i32
        %dma_wait3A_796 = arith.constant 0 : i32
        %dma_wait3A_797 = tpu.memref_slice %arg4[%dma_wait3A_795, %dma_wait3A_796] : memref<106496x64xf32, #tpu.memory_space<hbm>> -> memref<128x64xf32, #tpu.memory_space<hbm>>
        %dma_wait3A_798 = arith.constant 0 : i32
        %dma_wait3A_799 = arith.constant 0 : i32
        %dma_wait3A_800 = tpu.memref_slice %arg6[%dma_wait3A_787, %dma_wait3A_798, %dma_wait3A_799] : memref<13x128x64xf32, #tpu.memory_space<vmem>> -> memref<1x128x64xf32, #tpu.memory_space<vmem>>
        %dma_wait3A_801 = tpu.memref_squeeze %dma_wait3A_800 : memref<1x128x64xf32, #tpu.memory_space<vmem>> -> memref<128x64xf32, #tpu.memory_space<vmem>>
        tpu.wait_dma2 semaphore(%arg31 : memref<!tpu.dma_semaphore, #tpu.memory_space<semaphore_mem>>) src(%dma_wait3A_801 : memref<128x64xf32, #tpu.memory_space<vmem>>) dst(%dma_wait3A_797 : memref<128x64xf32, #tpu.memory_space<hbm>>)
        %add3A_802 = arith.constant 13 : i32
        %add3A_803 = arith.addi %add3A_718, %add3A_802 : i32
        %mul3A_804 = arith.constant 128 : i32
        %mul3A_805 = arith.muli %add3A_803, %mul3A_804 : i32
        %dma_start3A_806 = arith.constant 11 : i32
        %dma_start3A_807 = arith.constant 0 : i32
        %dma_start3A_808 = arith.constant 0 : i32
        %dma_start3A_809 = tpu.memref_slice %arg6[%dma_start3A_806, %dma_start3A_807, %dma_start3A_808] : memref<13x128x64xf32, #tpu.memory_space<vmem>> -> memref<1x128x64xf32, #tpu.memory_space<vmem>>
        %dma_start3A_810 = tpu.memref_squeeze %dma_start3A_809 : memref<1x128x64xf32, #tpu.memory_space<vmem>> -> memref<128x64xf32, #tpu.memory_space<vmem>>
        %dma_start3A_811 = tpu.memref_slice %arg5[%mul3A_805] : memref<3328xi32, #tpu.memory_space<vmem>> -> memref<128xi32, #tpu.memory_space<vmem>>
        %dma_start3A_812 = arith.constant 0 : i32
        %dma_start3A_813 = arith.constant 0 : i32
        %dma_start3A_814 = tpu.memref_slice %arg2[%dma_start3A_812, %dma_start3A_813] : memref<100000x64xf32, #tpu.memory_space<hbm>> -> memref<100000x64xf32, #tpu.memory_space<hbm>>
        tpu.enqueue_indirect_dma source(%dma_start3A_814 : memref<100000x64xf32, #tpu.memory_space<hbm>>) target(%dma_start3A_810 : memref<128x64xf32, #tpu.memory_space<vmem>>) offsets(%dma_start3A_811 : memref<128xi32, #tpu.memory_space<vmem>>) semaphore(%arg18 : memref<!tpu.dma_semaphore, #tpu.memory_space<semaphore_mem>>)
      } else {
      }
      %add3A_752 = arith.constant 12 : i32
      %add3A_753 = arith.addi %add3A_334, %add3A_752 : i32
      %dma_wait3A_754 = arith.constant 12 : i32
      %dma_wait3A_755 = arith.constant 0 : i32
      %dma_wait3A_756 = arith.constant 0 : i32
      %dma_wait3A_757 = tpu.memref_slice %arg6[%dma_wait3A_754, %dma_wait3A_755, %dma_wait3A_756] : memref<13x128x64xf32, #tpu.memory_space<vmem>> -> memref<1x128x64xf32, #tpu.memory_space<vmem>>
      %dma_wait3A_758 = tpu.memref_squeeze %dma_wait3A_757 : memref<1x128x64xf32, #tpu.memory_space<vmem>> -> memref<128x64xf32, #tpu.memory_space<vmem>>
      %dma_wait3A_759 = arith.constant 0 : i32
      %dma_wait3A_760 = tpu.memref_slice %arg5[%dma_wait3A_759] : memref<3328xi32, #tpu.memory_space<vmem>> -> memref<128xi32, #tpu.memory_space<vmem>>
      %dma_wait3A_761 = arith.constant 0 : i32
      %dma_wait3A_762 = arith.constant 0 : i32
      %dma_wait3A_763 = tpu.memref_slice %arg2[%dma_wait3A_761, %dma_wait3A_762] : memref<100000x64xf32, #tpu.memory_space<hbm>> -> memref<100000x64xf32, #tpu.memory_space<hbm>>
      tpu.wait_indirect_dma semaphore(%arg19 : memref<!tpu.dma_semaphore, #tpu.memory_space<semaphore_mem>>) src(%dma_wait3A_763 : memref<100000x64xf32, #tpu.memory_space<hbm>>) dst(%dma_wait3A_758 : memref<128x64xf32, #tpu.memory_space<vmem>>)
      %mul3A_764 = arith.constant 128 : i32
      %mul3A_765 = arith.muli %add3A_753, %mul3A_764 : i32
      %add3A_766 = arith.addi %mul3A_2, %mul3A_765 : i32
      %dma_start3A_767 = arith.constant 12 : i32
      %dma_start3A_768 = arith.constant 0 : i32
      %dma_start3A_769 = arith.constant 0 : i32
      %dma_start3A_770 = tpu.memref_slice %arg6[%dma_start3A_767, %dma_start3A_768, %dma_start3A_769] : memref<13x128x64xf32, #tpu.memory_space<vmem>> -> memref<1x128x64xf32, #tpu.memory_space<vmem>>
      %dma_start3A_771 = tpu.memref_squeeze %dma_start3A_770 : memref<1x128x64xf32, #tpu.memory_space<vmem>> -> memref<128x64xf32, #tpu.memory_space<vmem>>
      %dma_start3A_772 = arith.constant 0 : i32
      %dma_start3A_773 = tpu.memref_slice %arg4[%add3A_766, %dma_start3A_772] : memref<106496x64xf32, #tpu.memory_space<hbm>> -> memref<128x64xf32, #tpu.memory_space<hbm>>
      %dma_start3A_774 = arith.constant 0 : i32
      %dma_start3A_775 = tpu.memref_slice %arg4[%add3A_766, %dma_start3A_774] : memref<106496x64xf32, #tpu.memory_space<hbm>> -> memref<128x64xf32, #tpu.memory_space<hbm>>
      %dma_start3A_776 = arith.constant 0 : i32
      %dma_start3A_777 = arith.constant 0 : i32
      %dma_start3A_778 = tpu.memref_slice %arg6[%dma_start3A_767, %dma_start3A_776, %dma_start3A_777] : memref<13x128x64xf32, #tpu.memory_space<vmem>> -> memref<1x128x64xf32, #tpu.memory_space<vmem>>
      %dma_start3A_779 = tpu.memref_squeeze %dma_start3A_778 : memref<1x128x64xf32, #tpu.memory_space<vmem>> -> memref<128x64xf32, #tpu.memory_space<vmem>>
      tpu.enqueue_dma source(%dma_start3A_779 : memref<128x64xf32, #tpu.memory_space<vmem>>) target(%dma_start3A_775 : memref<128x64xf32, #tpu.memory_space<hbm>>) target_semaphore(%arg32 : memref<!tpu.dma_semaphore, #tpu.memory_space<semaphore_mem>>)
      %add3A_780 = arith.constant 13 : i32
      %add3A_781 = arith.addi %add3A_753, %add3A_780 : i32
      %lt3A_782 = arith.constant 26 : i32
      %lt3A_783 = arith.cmpi slt, %add3A_781, %lt3A_782 : i32
      %convert_element_type3A_784 = arith.extui %lt3A_783 : i1 to i32
      %cond3A_785 = arith.constant 0 : i32
      %cond3A_786 = arith.cmpi ne, %convert_element_type3A_784, %cond3A_785 : i32
      scf.if %cond3A_786 {
        %dma_wait3A_787 = arith.constant 12 : i32
        %dma_wait3A_788 = arith.constant 0 : i32
        %dma_wait3A_789 = arith.constant 0 : i32
        %dma_wait3A_790 = tpu.memref_slice %arg6[%dma_wait3A_787, %dma_wait3A_788, %dma_wait3A_789] : memref<13x128x64xf32, #tpu.memory_space<vmem>> -> memref<1x128x64xf32, #tpu.memory_space<vmem>>
        %dma_wait3A_791 = tpu.memref_squeeze %dma_wait3A_790 : memref<1x128x64xf32, #tpu.memory_space<vmem>> -> memref<128x64xf32, #tpu.memory_space<vmem>>
        %dma_wait3A_792 = arith.constant 0 : i32
        %dma_wait3A_793 = arith.constant 0 : i32
        %dma_wait3A_794 = tpu.memref_slice %arg4[%dma_wait3A_792, %dma_wait3A_793] : memref<106496x64xf32, #tpu.memory_space<hbm>> -> memref<128x64xf32, #tpu.memory_space<hbm>>
        %dma_wait3A_795 = arith.constant 0 : i32
        %dma_wait3A_796 = arith.constant 0 : i32
        %dma_wait3A_797 = tpu.memref_slice %arg4[%dma_wait3A_795, %dma_wait3A_796] : memref<106496x64xf32, #tpu.memory_space<hbm>> -> memref<128x64xf32, #tpu.memory_space<hbm>>
        %dma_wait3A_798 = arith.constant 0 : i32
        %dma_wait3A_799 = arith.constant 0 : i32
        %dma_wait3A_800 = tpu.memref_slice %arg6[%dma_wait3A_787, %dma_wait3A_798, %dma_wait3A_799] : memref<13x128x64xf32, #tpu.memory_space<vmem>> -> memref<1x128x64xf32, #tpu.memory_space<vmem>>
        %dma_wait3A_801 = tpu.memref_squeeze %dma_wait3A_800 : memref<1x128x64xf32, #tpu.memory_space<vmem>> -> memref<128x64xf32, #tpu.memory_space<vmem>>
        tpu.wait_dma2 semaphore(%arg32 : memref<!tpu.dma_semaphore, #tpu.memory_space<semaphore_mem>>) src(%dma_wait3A_801 : memref<128x64xf32, #tpu.memory_space<vmem>>) dst(%dma_wait3A_797 : memref<128x64xf32, #tpu.memory_space<hbm>>)
        %add3A_802 = arith.constant 13 : i32
        %add3A_803 = arith.addi %add3A_753, %add3A_802 : i32
        %mul3A_804 = arith.constant 128 : i32
        %mul3A_805 = arith.muli %add3A_803, %mul3A_804 : i32
        %dma_start3A_806 = arith.constant 12 : i32
        %dma_start3A_807 = arith.constant 0 : i32
        %dma_start3A_808 = arith.constant 0 : i32
        %dma_start3A_809 = tpu.memref_slice %arg6[%dma_start3A_806, %dma_start3A_807, %dma_start3A_808] : memref<13x128x64xf32, #tpu.memory_space<vmem>> -> memref<1x128x64xf32, #tpu.memory_space<vmem>>
        %dma_start3A_810 = tpu.memref_squeeze %dma_start3A_809 : memref<1x128x64xf32, #tpu.memory_space<vmem>> -> memref<128x64xf32, #tpu.memory_space<vmem>>
        %dma_start3A_811 = tpu.memref_slice %arg5[%mul3A_805] : memref<3328xi32, #tpu.memory_space<vmem>> -> memref<128xi32, #tpu.memory_space<vmem>>
        %dma_start3A_812 = arith.constant 0 : i32
        %dma_start3A_813 = arith.constant 0 : i32
        %dma_start3A_814 = tpu.memref_slice %arg2[%dma_start3A_812, %dma_start3A_813] : memref<100000x64xf32, #tpu.memory_space<hbm>> -> memref<100000x64xf32, #tpu.memory_space<hbm>>
        tpu.enqueue_indirect_dma source(%dma_start3A_814 : memref<100000x64xf32, #tpu.memory_space<hbm>>) target(%dma_start3A_810 : memref<128x64xf32, #tpu.memory_space<vmem>>) offsets(%dma_start3A_811 : memref<128xi32, #tpu.memory_space<vmem>>) semaphore(%arg19 : memref<!tpu.dma_semaphore, #tpu.memory_space<semaphore_mem>>)
      } else {
      }
    }
    %scan3A_135 = arith.constant 2 : i32
    %dma_wait3A = arith.constant 0 : i32
    %dma_wait3A_136 = arith.constant 0 : i32
    %dma_wait3A_137 = arith.constant 0 : i32
    %dma_wait3A_138 = tpu.memref_slice %arg6[%dma_wait3A, %dma_wait3A_136, %dma_wait3A_137] : memref<13x128x64xf32, #tpu.memory_space<vmem>> -> memref<1x128x64xf32, #tpu.memory_space<vmem>>
    %dma_wait3A_139 = tpu.memref_squeeze %dma_wait3A_138 : memref<1x128x64xf32, #tpu.memory_space<vmem>> -> memref<128x64xf32, #tpu.memory_space<vmem>>
    %dma_wait3A_140 = arith.constant 0 : i32
    %dma_wait3A_141 = arith.constant 0 : i32
    %dma_wait3A_142 = tpu.memref_slice %arg4[%dma_wait3A_140, %dma_wait3A_141] : memref<106496x64xf32, #tpu.memory_space<hbm>> -> memref<128x64xf32, #tpu.memory_space<hbm>>
    %dma_wait3A_143 = arith.constant 0 : i32
    %dma_wait3A_144 = arith.constant 0 : i32
    %dma_wait3A_145 = tpu.memref_slice %arg4[%dma_wait3A_143, %dma_wait3A_144] : memref<106496x64xf32, #tpu.memory_space<hbm>> -> memref<128x64xf32, #tpu.memory_space<hbm>>
    %dma_wait3A_146 = arith.constant 0 : i32
    %dma_wait3A_147 = arith.constant 0 : i32
    %dma_wait3A_148 = tpu.memref_slice %arg6[%dma_wait3A, %dma_wait3A_146, %dma_wait3A_147] : memref<13x128x64xf32, #tpu.memory_space<vmem>> -> memref<1x128x64xf32, #tpu.memory_space<vmem>>
    %dma_wait3A_149 = tpu.memref_squeeze %dma_wait3A_148 : memref<1x128x64xf32, #tpu.memory_space<vmem>> -> memref<128x64xf32, #tpu.memory_space<vmem>>
    tpu.wait_dma2 semaphore(%arg20 : memref<!tpu.dma_semaphore, #tpu.memory_space<semaphore_mem>>) src(%dma_wait3A_149 : memref<128x64xf32, #tpu.memory_space<vmem>>) dst(%dma_wait3A_145 : memref<128x64xf32, #tpu.memory_space<hbm>>)
    %dma_wait3A_150 = arith.constant 1 : i32
    %dma_wait3A_151 = arith.constant 0 : i32
    %dma_wait3A_152 = arith.constant 0 : i32
    %dma_wait3A_153 = tpu.memref_slice %arg6[%dma_wait3A_150, %dma_wait3A_151, %dma_wait3A_152] : memref<13x128x64xf32, #tpu.memory_space<vmem>> -> memref<1x128x64xf32, #tpu.memory_space<vmem>>
    %dma_wait3A_154 = tpu.memref_squeeze %dma_wait3A_153 : memref<1x128x64xf32, #tpu.memory_space<vmem>> -> memref<128x64xf32, #tpu.memory_space<vmem>>
    %dma_wait3A_155 = arith.constant 0 : i32
    %dma_wait3A_156 = arith.constant 0 : i32
    %dma_wait3A_157 = tpu.memref_slice %arg4[%dma_wait3A_155, %dma_wait3A_156] : memref<106496x64xf32, #tpu.memory_space<hbm>> -> memref<128x64xf32, #tpu.memory_space<hbm>>
    %dma_wait3A_158 = arith.constant 0 : i32
    %dma_wait3A_159 = arith.constant 0 : i32
    %dma_wait3A_160 = tpu.memref_slice %arg4[%dma_wait3A_158, %dma_wait3A_159] : memref<106496x64xf32, #tpu.memory_space<hbm>> -> memref<128x64xf32, #tpu.memory_space<hbm>>
    %dma_wait3A_161 = arith.constant 0 : i32
    %dma_wait3A_162 = arith.constant 0 : i32
    %dma_wait3A_163 = tpu.memref_slice %arg6[%dma_wait3A_150, %dma_wait3A_161, %dma_wait3A_162] : memref<13x128x64xf32, #tpu.memory_space<vmem>> -> memref<1x128x64xf32, #tpu.memory_space<vmem>>
    %dma_wait3A_164 = tpu.memref_squeeze %dma_wait3A_163 : memref<1x128x64xf32, #tpu.memory_space<vmem>> -> memref<128x64xf32, #tpu.memory_space<vmem>>
    tpu.wait_dma2 semaphore(%arg21 : memref<!tpu.dma_semaphore, #tpu.memory_space<semaphore_mem>>) src(%dma_wait3A_164 : memref<128x64xf32, #tpu.memory_space<vmem>>) dst(%dma_wait3A_160 : memref<128x64xf32, #tpu.memory_space<hbm>>)
    %dma_wait3A_165 = arith.constant 2 : i32
    %dma_wait3A_166 = arith.constant 0 : i32
    %dma_wait3A_167 = arith.constant 0 : i32
    %dma_wait3A_168 = tpu.memref_slice %arg6[%dma_wait3A_165, %dma_wait3A_166, %dma_wait3A_167] : memref<13x128x64xf32, #tpu.memory_space<vmem>> -> memref<1x128x64xf32, #tpu.memory_space<vmem>>
    %dma_wait3A_169 = tpu.memref_squeeze %dma_wait3A_168 : memref<1x128x64xf32, #tpu.memory_space<vmem>> -> memref<128x64xf32, #tpu.memory_space<vmem>>
    %dma_wait3A_170 = arith.constant 0 : i32
    %dma_wait3A_171 = arith.constant 0 : i32
    %dma_wait3A_172 = tpu.memref_slice %arg4[%dma_wait3A_170, %dma_wait3A_171] : memref<106496x64xf32, #tpu.memory_space<hbm>> -> memref<128x64xf32, #tpu.memory_space<hbm>>
    %dma_wait3A_173 = arith.constant 0 : i32
    %dma_wait3A_174 = arith.constant 0 : i32
    %dma_wait3A_175 = tpu.memref_slice %arg4[%dma_wait3A_173, %dma_wait3A_174] : memref<106496x64xf32, #tpu.memory_space<hbm>> -> memref<128x64xf32, #tpu.memory_space<hbm>>
    %dma_wait3A_176 = arith.constant 0 : i32
    %dma_wait3A_177 = arith.constant 0 : i32
    %dma_wait3A_178 = tpu.memref_slice %arg6[%dma_wait3A_165, %dma_wait3A_176, %dma_wait3A_177] : memref<13x128x64xf32, #tpu.memory_space<vmem>> -> memref<1x128x64xf32, #tpu.memory_space<vmem>>
    %dma_wait3A_179 = tpu.memref_squeeze %dma_wait3A_178 : memref<1x128x64xf32, #tpu.memory_space<vmem>> -> memref<128x64xf32, #tpu.memory_space<vmem>>
    tpu.wait_dma2 semaphore(%arg22 : memref<!tpu.dma_semaphore, #tpu.memory_space<semaphore_mem>>) src(%dma_wait3A_179 : memref<128x64xf32, #tpu.memory_space<vmem>>) dst(%dma_wait3A_175 : memref<128x64xf32, #tpu.memory_space<hbm>>)
    %dma_wait3A_180 = arith.constant 3 : i32
    %dma_wait3A_181 = arith.constant 0 : i32
    %dma_wait3A_182 = arith.constant 0 : i32
    %dma_wait3A_183 = tpu.memref_slice %arg6[%dma_wait3A_180, %dma_wait3A_181, %dma_wait3A_182] : memref<13x128x64xf32, #tpu.memory_space<vmem>> -> memref<1x128x64xf32, #tpu.memory_space<vmem>>
    %dma_wait3A_184 = tpu.memref_squeeze %dma_wait3A_183 : memref<1x128x64xf32, #tpu.memory_space<vmem>> -> memref<128x64xf32, #tpu.memory_space<vmem>>
    %dma_wait3A_185 = arith.constant 0 : i32
    %dma_wait3A_186 = arith.constant 0 : i32
    %dma_wait3A_187 = tpu.memref_slice %arg4[%dma_wait3A_185, %dma_wait3A_186] : memref<106496x64xf32, #tpu.memory_space<hbm>> -> memref<128x64xf32, #tpu.memory_space<hbm>>
    %dma_wait3A_188 = arith.constant 0 : i32
    %dma_wait3A_189 = arith.constant 0 : i32
    %dma_wait3A_190 = tpu.memref_slice %arg4[%dma_wait3A_188, %dma_wait3A_189] : memref<106496x64xf32, #tpu.memory_space<hbm>> -> memref<128x64xf32, #tpu.memory_space<hbm>>
    %dma_wait3A_191 = arith.constant 0 : i32
    %dma_wait3A_192 = arith.constant 0 : i32
    %dma_wait3A_193 = tpu.memref_slice %arg6[%dma_wait3A_180, %dma_wait3A_191, %dma_wait3A_192] : memref<13x128x64xf32, #tpu.memory_space<vmem>> -> memref<1x128x64xf32, #tpu.memory_space<vmem>>
    %dma_wait3A_194 = tpu.memref_squeeze %dma_wait3A_193 : memref<1x128x64xf32, #tpu.memory_space<vmem>> -> memref<128x64xf32, #tpu.memory_space<vmem>>
    tpu.wait_dma2 semaphore(%arg23 : memref<!tpu.dma_semaphore, #tpu.memory_space<semaphore_mem>>) src(%dma_wait3A_194 : memref<128x64xf32, #tpu.memory_space<vmem>>) dst(%dma_wait3A_190 : memref<128x64xf32, #tpu.memory_space<hbm>>)
    %dma_wait3A_195 = arith.constant 4 : i32
    %dma_wait3A_196 = arith.constant 0 : i32
    %dma_wait3A_197 = arith.constant 0 : i32
    %dma_wait3A_198 = tpu.memref_slice %arg6[%dma_wait3A_195, %dma_wait3A_196, %dma_wait3A_197] : memref<13x128x64xf32, #tpu.memory_space<vmem>> -> memref<1x128x64xf32, #tpu.memory_space<vmem>>
    %dma_wait3A_199 = tpu.memref_squeeze %dma_wait3A_198 : memref<1x128x64xf32, #tpu.memory_space<vmem>> -> memref<128x64xf32, #tpu.memory_space<vmem>>
    %dma_wait3A_200 = arith.constant 0 : i32
    %dma_wait3A_201 = arith.constant 0 : i32
    %dma_wait3A_202 = tpu.memref_slice %arg4[%dma_wait3A_200, %dma_wait3A_201] : memref<106496x64xf32, #tpu.memory_space<hbm>> -> memref<128x64xf32, #tpu.memory_space<hbm>>
    %dma_wait3A_203 = arith.constant 0 : i32
    %dma_wait3A_204 = arith.constant 0 : i32
    %dma_wait3A_205 = tpu.memref_slice %arg4[%dma_wait3A_203, %dma_wait3A_204] : memref<106496x64xf32, #tpu.memory_space<hbm>> -> memref<128x64xf32, #tpu.memory_space<hbm>>
    %dma_wait3A_206 = arith.constant 0 : i32
    %dma_wait3A_207 = arith.constant 0 : i32
    %dma_wait3A_208 = tpu.memref_slice %arg6[%dma_wait3A_195, %dma_wait3A_206, %dma_wait3A_207] : memref<13x128x64xf32, #tpu.memory_space<vmem>> -> memref<1x128x64xf32, #tpu.memory_space<vmem>>
    %dma_wait3A_209 = tpu.memref_squeeze %dma_wait3A_208 : memref<1x128x64xf32, #tpu.memory_space<vmem>> -> memref<128x64xf32, #tpu.memory_space<vmem>>
    tpu.wait_dma2 semaphore(%arg24 : memref<!tpu.dma_semaphore, #tpu.memory_space<semaphore_mem>>) src(%dma_wait3A_209 : memref<128x64xf32, #tpu.memory_space<vmem>>) dst(%dma_wait3A_205 : memref<128x64xf32, #tpu.memory_space<hbm>>)
    %dma_wait3A_210 = arith.constant 5 : i32
    %dma_wait3A_211 = arith.constant 0 : i32
    %dma_wait3A_212 = arith.constant 0 : i32
    %dma_wait3A_213 = tpu.memref_slice %arg6[%dma_wait3A_210, %dma_wait3A_211, %dma_wait3A_212] : memref<13x128x64xf32, #tpu.memory_space<vmem>> -> memref<1x128x64xf32, #tpu.memory_space<vmem>>
    %dma_wait3A_214 = tpu.memref_squeeze %dma_wait3A_213 : memref<1x128x64xf32, #tpu.memory_space<vmem>> -> memref<128x64xf32, #tpu.memory_space<vmem>>
    %dma_wait3A_215 = arith.constant 0 : i32
    %dma_wait3A_216 = arith.constant 0 : i32
    %dma_wait3A_217 = tpu.memref_slice %arg4[%dma_wait3A_215, %dma_wait3A_216] : memref<106496x64xf32, #tpu.memory_space<hbm>> -> memref<128x64xf32, #tpu.memory_space<hbm>>
    %dma_wait3A_218 = arith.constant 0 : i32
    %dma_wait3A_219 = arith.constant 0 : i32
    %dma_wait3A_220 = tpu.memref_slice %arg4[%dma_wait3A_218, %dma_wait3A_219] : memref<106496x64xf32, #tpu.memory_space<hbm>> -> memref<128x64xf32, #tpu.memory_space<hbm>>
    %dma_wait3A_221 = arith.constant 0 : i32
    %dma_wait3A_222 = arith.constant 0 : i32
    %dma_wait3A_223 = tpu.memref_slice %arg6[%dma_wait3A_210, %dma_wait3A_221, %dma_wait3A_222] : memref<13x128x64xf32, #tpu.memory_space<vmem>> -> memref<1x128x64xf32, #tpu.memory_space<vmem>>
    %dma_wait3A_224 = tpu.memref_squeeze %dma_wait3A_223 : memref<1x128x64xf32, #tpu.memory_space<vmem>> -> memref<128x64xf32, #tpu.memory_space<vmem>>
    tpu.wait_dma2 semaphore(%arg25 : memref<!tpu.dma_semaphore, #tpu.memory_space<semaphore_mem>>) src(%dma_wait3A_224 : memref<128x64xf32, #tpu.memory_space<vmem>>) dst(%dma_wait3A_220 : memref<128x64xf32, #tpu.memory_space<hbm>>)
    %dma_wait3A_225 = arith.constant 6 : i32
    %dma_wait3A_226 = arith.constant 0 : i32
    %dma_wait3A_227 = arith.constant 0 : i32
    %dma_wait3A_228 = tpu.memref_slice %arg6[%dma_wait3A_225, %dma_wait3A_226, %dma_wait3A_227] : memref<13x128x64xf32, #tpu.memory_space<vmem>> -> memref<1x128x64xf32, #tpu.memory_space<vmem>>
    %dma_wait3A_229 = tpu.memref_squeeze %dma_wait3A_228 : memref<1x128x64xf32, #tpu.memory_space<vmem>> -> memref<128x64xf32, #tpu.memory_space<vmem>>
    %dma_wait3A_230 = arith.constant 0 : i32
    %dma_wait3A_231 = arith.constant 0 : i32
    %dma_wait3A_232 = tpu.memref_slice %arg4[%dma_wait3A_230, %dma_wait3A_231] : memref<106496x64xf32, #tpu.memory_space<hbm>> -> memref<128x64xf32, #tpu.memory_space<hbm>>
    %dma_wait3A_233 = arith.constant 0 : i32
    %dma_wait3A_234 = arith.constant 0 : i32
    %dma_wait3A_235 = tpu.memref_slice %arg4[%dma_wait3A_233, %dma_wait3A_234] : memref<106496x64xf32, #tpu.memory_space<hbm>> -> memref<128x64xf32, #tpu.memory_space<hbm>>
    %dma_wait3A_236 = arith.constant 0 : i32
    %dma_wait3A_237 = arith.constant 0 : i32
    %dma_wait3A_238 = tpu.memref_slice %arg6[%dma_wait3A_225, %dma_wait3A_236, %dma_wait3A_237] : memref<13x128x64xf32, #tpu.memory_space<vmem>> -> memref<1x128x64xf32, #tpu.memory_space<vmem>>
    %dma_wait3A_239 = tpu.memref_squeeze %dma_wait3A_238 : memref<1x128x64xf32, #tpu.memory_space<vmem>> -> memref<128x64xf32, #tpu.memory_space<vmem>>
    tpu.wait_dma2 semaphore(%arg26 : memref<!tpu.dma_semaphore, #tpu.memory_space<semaphore_mem>>) src(%dma_wait3A_239 : memref<128x64xf32, #tpu.memory_space<vmem>>) dst(%dma_wait3A_235 : memref<128x64xf32, #tpu.memory_space<hbm>>)
    %dma_wait3A_240 = arith.constant 7 : i32
    %dma_wait3A_241 = arith.constant 0 : i32
    %dma_wait3A_242 = arith.constant 0 : i32
    %dma_wait3A_243 = tpu.memref_slice %arg6[%dma_wait3A_240, %dma_wait3A_241, %dma_wait3A_242] : memref<13x128x64xf32, #tpu.memory_space<vmem>> -> memref<1x128x64xf32, #tpu.memory_space<vmem>>
    %dma_wait3A_244 = tpu.memref_squeeze %dma_wait3A_243 : memref<1x128x64xf32, #tpu.memory_space<vmem>> -> memref<128x64xf32, #tpu.memory_space<vmem>>
    %dma_wait3A_245 = arith.constant 0 : i32
    %dma_wait3A_246 = arith.constant 0 : i32
    %dma_wait3A_247 = tpu.memref_slice %arg4[%dma_wait3A_245, %dma_wait3A_246] : memref<106496x64xf32, #tpu.memory_space<hbm>> -> memref<128x64xf32, #tpu.memory_space<hbm>>
    %dma_wait3A_248 = arith.constant 0 : i32
    %dma_wait3A_249 = arith.constant 0 : i32
    %dma_wait3A_250 = tpu.memref_slice %arg4[%dma_wait3A_248, %dma_wait3A_249] : memref<106496x64xf32, #tpu.memory_space<hbm>> -> memref<128x64xf32, #tpu.memory_space<hbm>>
    %dma_wait3A_251 = arith.constant 0 : i32
    %dma_wait3A_252 = arith.constant 0 : i32
    %dma_wait3A_253 = tpu.memref_slice %arg6[%dma_wait3A_240, %dma_wait3A_251, %dma_wait3A_252] : memref<13x128x64xf32, #tpu.memory_space<vmem>> -> memref<1x128x64xf32, #tpu.memory_space<vmem>>
    %dma_wait3A_254 = tpu.memref_squeeze %dma_wait3A_253 : memref<1x128x64xf32, #tpu.memory_space<vmem>> -> memref<128x64xf32, #tpu.memory_space<vmem>>
    tpu.wait_dma2 semaphore(%arg27 : memref<!tpu.dma_semaphore, #tpu.memory_space<semaphore_mem>>) src(%dma_wait3A_254 : memref<128x64xf32, #tpu.memory_space<vmem>>) dst(%dma_wait3A_250 : memref<128x64xf32, #tpu.memory_space<hbm>>)
    %dma_wait3A_255 = arith.constant 8 : i32
    %dma_wait3A_256 = arith.constant 0 : i32
    %dma_wait3A_257 = arith.constant 0 : i32
    %dma_wait3A_258 = tpu.memref_slice %arg6[%dma_wait3A_255, %dma_wait3A_256, %dma_wait3A_257] : memref<13x128x64xf32, #tpu.memory_space<vmem>> -> memref<1x128x64xf32, #tpu.memory_space<vmem>>
    %dma_wait3A_259 = tpu.memref_squeeze %dma_wait3A_258 : memref<1x128x64xf32, #tpu.memory_space<vmem>> -> memref<128x64xf32, #tpu.memory_space<vmem>>
    %dma_wait3A_260 = arith.constant 0 : i32
    %dma_wait3A_261 = arith.constant 0 : i32
    %dma_wait3A_262 = tpu.memref_slice %arg4[%dma_wait3A_260, %dma_wait3A_261] : memref<106496x64xf32, #tpu.memory_space<hbm>> -> memref<128x64xf32, #tpu.memory_space<hbm>>
    %dma_wait3A_263 = arith.constant 0 : i32
    %dma_wait3A_264 = arith.constant 0 : i32
    %dma_wait3A_265 = tpu.memref_slice %arg4[%dma_wait3A_263, %dma_wait3A_264] : memref<106496x64xf32, #tpu.memory_space<hbm>> -> memref<128x64xf32, #tpu.memory_space<hbm>>
    %dma_wait3A_266 = arith.constant 0 : i32
    %dma_wait3A_267 = arith.constant 0 : i32
    %dma_wait3A_268 = tpu.memref_slice %arg6[%dma_wait3A_255, %dma_wait3A_266, %dma_wait3A_267] : memref<13x128x64xf32, #tpu.memory_space<vmem>> -> memref<1x128x64xf32, #tpu.memory_space<vmem>>
    %dma_wait3A_269 = tpu.memref_squeeze %dma_wait3A_268 : memref<1x128x64xf32, #tpu.memory_space<vmem>> -> memref<128x64xf32, #tpu.memory_space<vmem>>
    tpu.wait_dma2 semaphore(%arg28 : memref<!tpu.dma_semaphore, #tpu.memory_space<semaphore_mem>>) src(%dma_wait3A_269 : memref<128x64xf32, #tpu.memory_space<vmem>>) dst(%dma_wait3A_265 : memref<128x64xf32, #tpu.memory_space<hbm>>)
    %dma_wait3A_270 = arith.constant 9 : i32
    %dma_wait3A_271 = arith.constant 0 : i32
    %dma_wait3A_272 = arith.constant 0 : i32
    %dma_wait3A_273 = tpu.memref_slice %arg6[%dma_wait3A_270, %dma_wait3A_271, %dma_wait3A_272] : memref<13x128x64xf32, #tpu.memory_space<vmem>> -> memref<1x128x64xf32, #tpu.memory_space<vmem>>
    %dma_wait3A_274 = tpu.memref_squeeze %dma_wait3A_273 : memref<1x128x64xf32, #tpu.memory_space<vmem>> -> memref<128x64xf32, #tpu.memory_space<vmem>>
    %dma_wait3A_275 = arith.constant 0 : i32
    %dma_wait3A_276 = arith.constant 0 : i32
    %dma_wait3A_277 = tpu.memref_slice %arg4[%dma_wait3A_275, %dma_wait3A_276] : memref<106496x64xf32, #tpu.memory_space<hbm>> -> memref<128x64xf32, #tpu.memory_space<hbm>>
    %dma_wait3A_278 = arith.constant 0 : i32
    %dma_wait3A_279 = arith.constant 0 : i32
    %dma_wait3A_280 = tpu.memref_slice %arg4[%dma_wait3A_278, %dma_wait3A_279] : memref<106496x64xf32, #tpu.memory_space<hbm>> -> memref<128x64xf32, #tpu.memory_space<hbm>>
    %dma_wait3A_281 = arith.constant 0 : i32
    %dma_wait3A_282 = arith.constant 0 : i32
    %dma_wait3A_283 = tpu.memref_slice %arg6[%dma_wait3A_270, %dma_wait3A_281, %dma_wait3A_282] : memref<13x128x64xf32, #tpu.memory_space<vmem>> -> memref<1x128x64xf32, #tpu.memory_space<vmem>>
    %dma_wait3A_284 = tpu.memref_squeeze %dma_wait3A_283 : memref<1x128x64xf32, #tpu.memory_space<vmem>> -> memref<128x64xf32, #tpu.memory_space<vmem>>
    tpu.wait_dma2 semaphore(%arg29 : memref<!tpu.dma_semaphore, #tpu.memory_space<semaphore_mem>>) src(%dma_wait3A_284 : memref<128x64xf32, #tpu.memory_space<vmem>>) dst(%dma_wait3A_280 : memref<128x64xf32, #tpu.memory_space<hbm>>)
    %dma_wait3A_285 = arith.constant 10 : i32
    %dma_wait3A_286 = arith.constant 0 : i32
    %dma_wait3A_287 = arith.constant 0 : i32
    %dma_wait3A_288 = tpu.memref_slice %arg6[%dma_wait3A_285, %dma_wait3A_286, %dma_wait3A_287] : memref<13x128x64xf32, #tpu.memory_space<vmem>> -> memref<1x128x64xf32, #tpu.memory_space<vmem>>
    %dma_wait3A_289 = tpu.memref_squeeze %dma_wait3A_288 : memref<1x128x64xf32, #tpu.memory_space<vmem>> -> memref<128x64xf32, #tpu.memory_space<vmem>>
    %dma_wait3A_290 = arith.constant 0 : i32
    %dma_wait3A_291 = arith.constant 0 : i32
    %dma_wait3A_292 = tpu.memref_slice %arg4[%dma_wait3A_290, %dma_wait3A_291] : memref<106496x64xf32, #tpu.memory_space<hbm>> -> memref<128x64xf32, #tpu.memory_space<hbm>>
    %dma_wait3A_293 = arith.constant 0 : i32
    %dma_wait3A_294 = arith.constant 0 : i32
    %dma_wait3A_295 = tpu.memref_slice %arg4[%dma_wait3A_293, %dma_wait3A_294] : memref<106496x64xf32, #tpu.memory_space<hbm>> -> memref<128x64xf32, #tpu.memory_space<hbm>>
    %dma_wait3A_296 = arith.constant 0 : i32
    %dma_wait3A_297 = arith.constant 0 : i32
    %dma_wait3A_298 = tpu.memref_slice %arg6[%dma_wait3A_285, %dma_wait3A_296, %dma_wait3A_297] : memref<13x128x64xf32, #tpu.memory_space<vmem>> -> memref<1x128x64xf32, #tpu.memory_space<vmem>>
    %dma_wait3A_299 = tpu.memref_squeeze %dma_wait3A_298 : memref<1x128x64xf32, #tpu.memory_space<vmem>> -> memref<128x64xf32, #tpu.memory_space<vmem>>
    tpu.wait_dma2 semaphore(%arg30 : memref<!tpu.dma_semaphore, #tpu.memory_space<semaphore_mem>>) src(%dma_wait3A_299 : memref<128x64xf32, #tpu.memory_space<vmem>>) dst(%dma_wait3A_295 : memref<128x64xf32, #tpu.memory_space<hbm>>)
    %dma_wait3A_300 = arith.constant 11 : i32
    %dma_wait3A_301 = arith.constant 0 : i32
    %dma_wait3A_302 = arith.constant 0 : i32
    %dma_wait3A_303 = tpu.memref_slice %arg6[%dma_wait3A_300, %dma_wait3A_301, %dma_wait3A_302] : memref<13x128x64xf32, #tpu.memory_space<vmem>> -> memref<1x128x64xf32, #tpu.memory_space<vmem>>
    %dma_wait3A_304 = tpu.memref_squeeze %dma_wait3A_303 : memref<1x128x64xf32, #tpu.memory_space<vmem>> -> memref<128x64xf32, #tpu.memory_space<vmem>>
    %dma_wait3A_305 = arith.constant 0 : i32
    %dma_wait3A_306 = arith.constant 0 : i32
    %dma_wait3A_307 = tpu.memref_slice %arg4[%dma_wait3A_305, %dma_wait3A_306] : memref<106496x64xf32, #tpu.memory_space<hbm>> -> memref<128x64xf32, #tpu.memory_space<hbm>>
    %dma_wait3A_308 = arith.constant 0 : i32
    %dma_wait3A_309 = arith.constant 0 : i32
    %dma_wait3A_310 = tpu.memref_slice %arg4[%dma_wait3A_308, %dma_wait3A_309] : memref<106496x64xf32, #tpu.memory_space<hbm>> -> memref<128x64xf32, #tpu.memory_space<hbm>>
    %dma_wait3A_311 = arith.constant 0 : i32
    %dma_wait3A_312 = arith.constant 0 : i32
    %dma_wait3A_313 = tpu.memref_slice %arg6[%dma_wait3A_300, %dma_wait3A_311, %dma_wait3A_312] : memref<13x128x64xf32, #tpu.memory_space<vmem>> -> memref<1x128x64xf32, #tpu.memory_space<vmem>>
    %dma_wait3A_314 = tpu.memref_squeeze %dma_wait3A_313 : memref<1x128x64xf32, #tpu.memory_space<vmem>> -> memref<128x64xf32, #tpu.memory_space<vmem>>
    tpu.wait_dma2 semaphore(%arg31 : memref<!tpu.dma_semaphore, #tpu.memory_space<semaphore_mem>>) src(%dma_wait3A_314 : memref<128x64xf32, #tpu.memory_space<vmem>>) dst(%dma_wait3A_310 : memref<128x64xf32, #tpu.memory_space<hbm>>)
    %dma_wait3A_315 = arith.constant 12 : i32
    %dma_wait3A_316 = arith.constant 0 : i32
    %dma_wait3A_317 = arith.constant 0 : i32
    %dma_wait3A_318 = tpu.memref_slice %arg6[%dma_wait3A_315, %dma_wait3A_316, %dma_wait3A_317] : memref<13x128x64xf32, #tpu.memory_space<vmem>> -> memref<1x128x64xf32, #tpu.memory_space<vmem>>
    %dma_wait3A_319 = tpu.memref_squeeze %dma_wait3A_318 : memref<1x128x64xf32, #tpu.memory_space<vmem>> -> memref<128x64xf32, #tpu.memory_space<vmem>>
    %dma_wait3A_320 = arith.constant 0 : i32
    %dma_wait3A_321 = arith.constant 0 : i32
    %dma_wait3A_322 = tpu.memref_slice %arg4[%dma_wait3A_320, %dma_wait3A_321] : memref<106496x64xf32, #tpu.memory_space<hbm>> -> memref<128x64xf32, #tpu.memory_space<hbm>>
    %dma_wait3A_323 = arith.constant 0 : i32
    %dma_wait3A_324 = arith.constant 0 : i32
    %dma_wait3A_325 = tpu.memref_slice %arg4[%dma_wait3A_323, %dma_wait3A_324] : memref<106496x64xf32, #tpu.memory_space<hbm>> -> memref<128x64xf32, #tpu.memory_space<hbm>>
    %dma_wait3A_326 = arith.constant 0 : i32
    %dma_wait3A_327 = arith.constant 0 : i32
    %dma_wait3A_328 = tpu.memref_slice %arg6[%dma_wait3A_315, %dma_wait3A_326, %dma_wait3A_327] : memref<13x128x64xf32, #tpu.memory_space<vmem>> -> memref<1x128x64xf32, #tpu.memory_space<vmem>>
    %dma_wait3A_329 = tpu.memref_squeeze %dma_wait3A_328 : memref<1x128x64xf32, #tpu.memory_space<vmem>> -> memref<128x64xf32, #tpu.memory_space<vmem>>
    tpu.wait_dma2 semaphore(%arg32 : memref<!tpu.dma_semaphore, #tpu.memory_space<semaphore_mem>>) src(%dma_wait3A_329 : memref<128x64xf32, #tpu.memory_space<vmem>>) dst(%dma_wait3A_325 : memref<128x64xf32, #tpu.memory_space<hbm>>)
    return
  }
}

</mosaic_0001>

<sc_bundles>
// kernel: kernel.3.cloned.1.call-start
scs
__scs_entry_jumppad:
0x0: {  	(pc) =	sbr.rel $0x88, $3  }
0x1: {  	(tag) =	ssettag $0x0;
	lr =	simm.s32 $0x1  }
0x2: {  	[smem:$0x3F9F] =	sst lr;
	_ =	strace $0xD0000000  }
0x3: {  	_ = 	snop  }
0x4: {  	_ = 	snop  }
0x5: {  	_ = 	snop  }
0x6: {  	_ = 	snop  }
0x7: {  	_ = 	snop  }
__scs_overlays_trampoline_lowered:
0x8: {  	[smem:$0x3FAE] =	sst s0  }
0x9: {  	[smem:$0x3FAF] =	sst s1  }
0xa: {  	[smem:$0x3FB0] =	sst s2  }
0xb: {  	[smem:$0x3FB1] =	sst s3  }
0xc: {  	[smem:$0x3FB2] =	sst s4  }
0xd: {  	[smem:$0x3FB3] =	sst s5  }
0xe: {  	[smem:$0x3FB4] =	sst s6  }
0xf: {  	[smem:$0x3FB5] =	sst s7  }
0x10: {  	[smem:$0x3FB6] =	sst s8  }
0x11: {  	[smem:$0x3FB7] =	sst s9;
	s0 =	simm.s32 @!p0 $0x0  }
0x12: {  	s1 =	sld [smem:$0x3F9D];
	s0 =	simm.s32 @p0 $0x1  }
0x13: {  	[smem:$0x3FB8] =	sst s0;
	s0 =	simm.s32 @!p1 $0x0  }
0x14: {  	s2 =	sld [smem:$0x3F9C];
	s0 =	simm.s32 @p1 $0x1  }
0x15: {  	[smem:$0x3FB9] =	sst s0;
	s0 =	simm.s32 @!p2 $0x0  }
0x16: {  	s3 =	sld [smem:$0x3FDB];
	s0 =	simm.s32 @p2 $0x1  }
0x17: {  	s4 =	simm.s32 $0x1BF5;
	[smem:$0x3FBB] =	sst s0  }
0x18: {  	s0 =	sld [smem:$0x3F9E];
	_ =	swait.ge [sflag:s4], $0x0  }
0x19: {  	s7 =	sld [smem:$0x3F9F]  }
0x1a: {  	s8 =	sadd.s32 $0xFFFFE003, lr  }
0x1b: {  	s9 =	sadd.s32 $0xFFFFFEF7, lr;
	s5 =	simm.s32 $0xFFFFFFFF;
	p2 =	slt.u32 s8, $0xFFFFF086  }
0x1c: {  	p1 =	slt.u32 s9, $0xF7A;
	s5 =	simm.s32 @!p2 $0x0  }
0x1d: {  	s5 =	simm.s32 @p1 $0x1;
	p0 =	seq.s32 s7, s2  }
0x1e: {  	s7 =	smul.u32 @!p0 $0xF7A, s2;
	p2 =	seq.s32 @!p0 s5, $0x0  }
0x1f: {  	s9 =	smul.u32 $0xF7A, s1;
	s8 =	simm.s32 @!p0 $0x1BF5;
	p2 =	por !p2, p0  }
0x20: {  	[sflag:s8] =	ssyncset.s32 @!p0 $0xFFFFF086;
	s6 =	sadd.s32 @!p0 s3, s7;
	s7 =	simm.s32 @!p0 $0x108  }
0x21: {  	s3 =	sadd.s32 s3, s9;
	s6 =	sadd.s32 @!p0 $0x88, s6;
	s7 =	simm.s32 @p2 $0x1082  }
0x22: {  	[simem:s7], [sflag:s8] =	dma.local @!p0 [hbm:s6], $0xF7A  }
0x23: {  	s9 =	sor.u32 $0xD0000000, s2;
	s6 =	simm.s32 $0x108;
	_ =	swait.ge @!p0 [sflag:s8], $0x0  }
0x24: {  	s3 =	sadd.s32 $0x88, s3;
	s6 =	simm.s32 @!p1 $0x1082;
	[sflag:s4] =	ssyncset.s32 $0xFFFFF086  }
0x25: {  	[simem:s6], [sflag:s4] =	dma.local [hbm:s3], $0xF7A  }
0x26: {  	[smem:$0x3F9F] =	sst s1;
	(tag) =	ssettag s2;
	_ =	strace s9  }
0x27: {  	s1 =	sld [smem:$0x3FAF]  }
0x28: {  	s2 =	sld [smem:$0x3FB0]  }
0x29: {  	s4 =	sld [smem:$0x3FB2]  }
0x2a: {  	p0 =	seq.s32 s5, $0x0;
	s5 =	sld [smem:$0x3FB3]  }
0x2b: {  	s6 =	sld [smem:$0x3FB4]  }
0x2c: {  	s7 =	sld [smem:$0x3FB5]  }
0x2d: {  	s3 =	simm.s32 $0x108;
	s8 =	sld [smem:$0x3FB6]  }
0x2e: {  	s3 =	simm.s32 @!p0 $0x1082;
	s9 =	sld [smem:$0x3FB7]  }
0x2f: {  	lr =	sadd.s32 s0, s3;
	s0 =	sld [smem:$0x3FAE]  }
0x30: {  	s3 =	sld [smem:$0x3FB1]  }
0x31: {  	[smem:$0x3FBA] =	sst s10  }
0x32: {  	s10 =	sld [smem:$0x3FB8];
	_ =	sdelay $0x3  }
0x33: {  	p0 =	seq.s32 s10, $0x1;
	s10 =	sld [smem:$0x3FBA];
	_ =	sdelay $0x3  }
0x34: {  	[smem:$0x3FBA] =	sst s10  }
0x35: {  	s10 =	sld [smem:$0x3FB9];
	_ =	sdelay $0x3  }
0x36: {  	p1 =	seq.s32 s10, $0x1;
	s10 =	sld [smem:$0x3FBA];
	_ =	sdelay $0x3  }
0x37: {  	[smem:$0x3FBA] =	sst s10  }
0x38: {  	s10 =	sld [smem:$0x3FBB]  }
0x39: {  	_ = 	snop;
	(pc) =	sbr.ind lr, $3  }
0x3a: {  	_ = 	snop  }
0x3b: {  	_ = 	snop  }
0x3c: {  	p2 =	seq.s32 s10, $0x1;
	s10 =	sld [smem:$0x3FBA]  }
0x3d: {  	_ =	shalt  }
0x3e: {  	_ =	shalt  }
0x3f: {  	_ =	shalt  }
0x40: {  	_ =	shalt  }
0x41: {  	_ =	shalt  }
0x42: {  	_ =	shalt  }
0x43: {  	_ =	shalt  }
0x44: {  	_ =	shalt  }
0x45: {  	_ =	shalt  }
0x46: {  	_ =	shalt  }
0x47: {  	_ =	shalt  }
0x48: {  	_ =	shalt  }
0x49: {  	_ =	shalt  }
0x4a: {  	_ =	shalt  }
0x4b: {  	_ =	shalt  }
0x4c: {  	_ =	shalt  }
0x4d: {  	_ =	shalt  }
0x4e: {  	_ =	shalt  }
0x4f: {  	_ =	shalt  }
0x50: {  	_ =	shalt  }
0x51: {  	_ =	shalt  }
0x52: {  	_ =	shalt  }
0x53: {  	_ =	shalt  }
0x54: {  	_ =	shalt  }
0x55: {  	_ =	shalt  }
0x56: {  	_ =	shalt  }
0x57: {  	_ =	shalt  }
0x58: {  	_ =	shalt  }
0x59: {  	_ =	shalt  }
0x5a: {  	_ =	shalt  }
0x5b: {  	_ =	shalt  }
0x5c: {  	_ =	shalt  }
0x5d: {  	_ =	shalt  }
0x5e: {  	_ =	shalt  }
0x5f: {  	_ =	shalt  }
0x60: {  	_ =	shalt  }
0x61: {  	_ =	shalt  }
0x62: {  	_ =	shalt  }
0x63: {  	_ =	shalt  }
0x64: {  	_ =	shalt  }
0x65: {  	_ =	shalt  }
0x66: {  	_ =	shalt  }
0x67: {  	_ =	shalt  }
0x68: {  	_ =	shalt  }
0x69: {  	_ =	shalt  }
0x6a: {  	_ =	shalt  }
0x6b: {  	_ =	shalt  }
0x6c: {  	_ =	shalt  }
0x6d: {  	_ =	shalt  }
0x6e: {  	_ =	shalt  }
0x6f: {  	_ =	shalt  }
0x70: {  	_ =	shalt  }
0x71: {  	_ =	shalt  }
0x72: {  	_ =	shalt  }
0x73: {  	_ =	shalt  }
0x74: {  	_ =	shalt  }
0x75: {  	_ =	shalt  }
0x76: {  	_ =	shalt  }
0x77: {  	_ =	shalt  }
0x78: {  	_ =	shalt  }
0x79: {  	_ =	shalt  }
0x7a: {  	_ =	shalt  }
0x7b: {  	_ =	shalt  }
0x7c: {  	_ =	shalt  }
0x7d: {  	_ =	shalt  }
0x7e: {  	_ =	shalt  }
0x7f: {  	_ =	shalt  }
0x80: {  	_ =	shalt  }
0x81: {  	_ =	shalt  }
0x82: {  	_ =	shalt  }
0x83: {  	_ =	shalt  }
0x84: {  	_ =	shalt  }
0x85: {  	_ =	shalt  }
0x86: {  	_ =	shalt  }
0x87: {  	_ =	shalt  }
.Lfunc_end0:
.L_simem_size_0:
called_computation_lowered:
.L_overlay_start_0:
0x88: {  	s2 =	sld [smem:$0x3FD9]  }
0x89: {  	s3 =	sld [smem:$0x3FFE];
	_ =	sdelay $0x1  }
0x8a: {  	s1 =	srdreg.scid  }
0x8b: {  	s0 =	sand.u32 $0x1, s1  }
0x8c: {  	s17 =	sshll.u32 s0, $0xA;
	s2 =	sadd.s32 s3, s2  }
0x8d: {  	s2 =	sadd.s32 s2, s17  }
0x8e: {  	[smem:$0x3FC6] =	sst s2  }
0x8f: {  	_ = 	snop  }
0x90: {  	s2 =	sld [smem:$0x3FD0];
	(tm) =	ssettm $0x1  }
0x91: {  	s18 =	sld [smem:$0x3FFB];
	_ =	sdelay $0x3  }
0x92: {  	_ =	strace s18  }
0x93: {  	s3 =	sld [smem:$0x3FFC];
	_ =	sdelay $0x3  }
0x94: {  	_ =	strace s3  }
0x95: {  	s3 =	sld [smem:$0x3FFD];
	_ =	sdelay $0x3  }
0x96: {  	_ =	strace s3  }
0x97: {  	_ =	strace $0x8FFFFFFF  }
0x98: {  	s19 =	sld [smem:$0x3FDB];
	_ =	sdelay $0x1  }
0x99: {  	s4 =	simm.s32 $_scs_section_size  }
0x9a: {  	s5 =	simm.s32 $_size__tile_overlayer_lowered;
	s6 =	simm.s32 $_tile_overlayer_lowered  }
0x9b: {  	s22 =	simm.s32 $0x1BFF;
	s21 =	sshll.u32 s6, $0x1;
	s3 =	sadd.s32 s4, s19  }
0x9c: {  	s7 =	simm.s32 $0x0;
	s20 =	sshll.u32 s5, $0x1;
	s5 =	sadd.s32 s21, s3  }
0x9d: {  	[timem:s7], [sflag:s22] =	dma.local [hbm:s5], s20  }
0x9e: {  	_ =	swait.ge [sflag:s22], s20  }
0x9f: {  	s4 =	ssub.s32 $0x0, s20;
	[sflag:s22] =	ssyncset.done $0x0  }
0xa0: {  	[sflag:s22] =	ssyncadd.s32 s4;
	_ =	sdelay $0x1  }
0xa1: {  	s23 =	simm.s32 $0x1B8B  }
0xa2: {  	_ =	swait.ge [sflag:s23], $0x1  }
0xa3: {  	[sflag:s23] =	ssyncset.done $0x0  }
0xa4: {  	s25 =	simm.s32 $0x1B8E;
	s24 =	sld [smem:$0x3FFE];
	[sflag:s23] =	ssyncadd.s32 $0xFFFFFFFF  }
0xa5: {  	s26 =	simm.s32 $execute0_lowered;
	[smem:$0x3FD2] =	sst s25  }
0xa6: {  	s5 =	sshll.u32 s26, $0x1;
	_ =	strace $0x80000046;
	[dreg:$0x1] =	wrdreg $0xFFFFFFFF  }
0xa7: {  	s28 =	simm.s32 $_size_execute0_lowered;
	s3 =	sadd.s32 s3, s5;
	[dreg:$0x0] =	wrdreg $0x0  }
0xa8: {  	s5 =	sshll.u32 s28, $0x1;
	[dreg:$0x2] =	wrdreg s3  }
0xa9: {  	[dreg:$0x3] =	wrdreg s5  }
0xaa: {  	[dreg:$0x4] =	wrdreg $0xC0  }
0xab: {  	_ =	task [dreg:s7], $0x5FFFF  }
0xac: {  	[dreg:$0x1] =	wrdreg $0xFFFFFFFF  }
0xad: {  	[dreg:$0x0] =	wrdreg $0x60  }
0xae: {  	[dreg:$0x2] =	wrdreg s24  }
0xaf: {  	[dreg:$0x3] =	wrdreg s2  }
0xb0: {  	[dreg:$0x4] =	wrdreg $0x9  }
0xb1: {  	_ =	task.clear_ibuf [dreg:s7], $0x5FFFF;
	_ =	strace $0x90000046  }
0xb2: {  	s29 =	simm.s32 $0x9;
	_ =	strace $0x80000048  }
0xb3: {  	_ =	swait.ge [sflag:s29], $0x1  }
0xb4: {  	[sflag:s29] =	ssyncadd.s32 $0xFFFFFFFF  }
0xb5: {  	_ =	strace $0x90000048  }
0xb6: {  	_ =	sfence  }
0xb7: {  	s30 =	sld [smem:$0x0];
	_ =	sdelay $0x2  }
0xb8: {  	s31 =	sshll.u32 s1, $0xD;
	s1 =	sshrl.u32 s1, $0x2  }
0xb9: {  	s3 =	sand.u32 $0x4000, s31;
	s1 =	sadd.s32 s1, s30  }
0xba: {  	s0 =	sor.u32 s3, s0;
	s1 =	sshll.u32 s1, $0x11  }
0xbb: {  	s0 =	sor.u32 s1, s0  }
0xbc: {  	s0 =	sadd.s32 $0x8F2B, s0  }
0xbd: {  	[sflag:s0] =	ssyncadd.remote.s32 $0x1  }
0xbe: {  	_ =	sfence.sel $0xFFFF  }
0xbf: {  	[dreg:$0x0] =	wrdreg $0xFFFFFFFF;
	(pc) =	sbr.abs _section_cstart, $3  }
0xc0: {  	[dreg:$0x1] =	wrdreg $0xFFFFFFFF  }
0xc1: {  	_ =	task.clear_ibuf [dreg:s7], $0x2FFFF;
	_ =	strace $0x9FFFFFFF  }
0xc2: {  	(tm) =	ssettm $0x7FFFFFFF  }
0xc3: {  	_ =	shalt  }
tec
execute0_lowered:
.L_overlay_start_1:
0x0: {  	(tag) =	ssettag $0x1  }
0x1: {  	s0 =	srdreg.scid  }
0x2: {  	s2 =	stileid.u32;
	s1 =	rddreg [dreg:$0x0];
	s19 =	simm.s32 $0x18D00  }
0x3: {  	s20 =	simm.s32 $0x1;
	s22 =	simm.s32 $0x2;
	s28 =	simm.s32 $0x5  }
0x4: {  	s30 =	simm.s32 $0x6;
	s29 =	simm.s32 $0x9;
	s31 =	simm.s32 $0xB  }
0x5: {  	s21 =	simm.s32 $0x1A;
	s0 =	sand.u32 $0x1, s0;
	s3 =	sshll.u32 s2, $0x1  }
0x6: {  	s2 =	rddreg [dreg:$0x1];
	s4 =	sor.u32 s0, s3;
	s3 =	simm.s32 $0x0  }
0x7: {  	s0 =	ssub.s32 $0x2, s0;
	s7 =	smul.u32 $0xD00, s4;
	[smem:$0x7FF] =	sst s3  }
0x8: {  	s5 =	sadd.s32 $0x18A200, s1;
	s6 =	sshrl.u32 s0, $0x1;
	_ =	strace $0x80000047  }
0x9: {  	s0 =	ssub.s32 s0, s6;
	s6 =	simm.s32 $0xD;
	s4 =	sshrl.u32 s7, $0x3  }
0xa: {  	s23 =	sor.u32 $0x80, s7;
	s24 =	sadd.s32 $0x100, s7;
	s25 =	sadd.s32 $0x180, s7  }
0xb: {  	s26 =	sadd.s32 $0x200, s7;
	s11 =	sadd.s32 $0x280, s7;
	s12 =	sadd.s32 $0x300, s7  }
0xc: {  	s13 =	sadd.s32 $0x380, s7;
	s14 =	sadd.s32 $0x400, s7;
	s15 =	sadd.s32 $0x480, s7  }
0xd: {  	s16 =	sadd.s32 $0x500, s7;
	s17 =	sadd.s32 $0x580, s7;
	[dreg:$0x4] =	wrdreg s23  }
0xe: {  	s10 =	smov.u32 s7;
	s18 =	sadd.s32 $0x600, s7;
	[dreg:$0x5] =	wrdreg s24  }
.Ltmp0:
0xf: {  	s0 =	smax.u32 s0, $0x1;
	[dreg:$0x6] =	wrdreg s25;
	(pc) =	sbr.rel .LBB2_1-.Ltmp0, $4  }
0x10: {  	s7 =	simm.s32 $0x0;
	s1 =	sadd.s32 s4, s1;
	[dreg:$0x7] =	wrdreg s26  }
0x11: {  	[dreg:$0x8] =	wrdreg s0;
	s23 =	simm.s32 $0x3;
	s25 =	simm.s32 $0x4  }
0x12: {  	s24 =	simm.s32 $0x8;
	s0 =	simm.s32 $0xA;
	s1 =	sadd.s32 $0x400, s1  }
0x13: {  	s26 =	simm.s32 $0xC;
	[dreg:$0x3] =	wrdreg s1;
	s1 =	simm.s32 $0x7  }
.LBB2_4:
0x14: {  	s4 =	simm.s32 $0xE  }
0x15: {  	_ =	swait.ge [sflag:s4], $0x2000  }
0x16: {  	[sflag:s4] =	ssyncset.done $0x0  }
0x17: {  	s7 =	simm.s32 $0xF;
	[sflag:s4] =	ssyncadd.s32 $0xFFFFE000  }
0x18: {  	_ =	swait.ge [sflag:s7], $0x2000  }
0x19: {  	[sflag:s7] =	ssyncset.done $0x0  }
0x1a: {  	s8 =	simm.s32 $0x10;
	[sflag:s7] =	ssyncadd.s32 $0xFFFFE000  }
0x1b: {  	_ =	swait.ge [sflag:s8], $0x2000  }
0x1c: {  	[sflag:s8] =	ssyncset.done $0x0  }
0x1d: {  	s9 =	simm.s32 $0x11;
	[sflag:s8] =	ssyncadd.s32 $0xFFFFE000  }
0x1e: {  	_ =	swait.ge [sflag:s9], $0x2000  }
0x1f: {  	[sflag:s9] =	ssyncset.done $0x0  }
0x20: {  	s7 =	simm.s32 $0x12;
	[sflag:s9] =	ssyncadd.s32 $0xFFFFE000  }
0x21: {  	_ =	swait.ge [sflag:s7], $0x2000  }
0x22: {  	[sflag:s7] =	ssyncset.done $0x0  }
0x23: {  	s8 =	simm.s32 $0x13;
	[sflag:s7] =	ssyncadd.s32 $0xFFFFE000  }
0x24: {  	_ =	swait.ge [sflag:s8], $0x2000  }
0x25: {  	[sflag:s8] =	ssyncset.done $0x0  }
0x26: {  	s9 =	simm.s32 $0x14;
	[sflag:s8] =	ssyncadd.s32 $0xFFFFE000  }
0x27: {  	_ =	swait.ge [sflag:s9], $0x2000  }
0x28: {  	[sflag:s9] =	ssyncset.done $0x0  }
0x29: {  	s7 =	simm.s32 $0x15;
	[sflag:s9] =	ssyncadd.s32 $0xFFFFE000  }
0x2a: {  	_ =	swait.ge [sflag:s7], $0x2000  }
0x2b: {  	[sflag:s7] =	ssyncset.done $0x0  }
0x2c: {  	s8 =	simm.s32 $0x16;
	[sflag:s7] =	ssyncadd.s32 $0xFFFFE000  }
0x2d: {  	_ =	swait.ge [sflag:s8], $0x2000  }
0x2e: {  	[sflag:s8] =	ssyncset.done $0x0  }
0x2f: {  	s9 =	simm.s32 $0x17;
	[sflag:s8] =	ssyncadd.s32 $0xFFFFE000  }
0x30: {  	_ =	swait.ge [sflag:s9], $0x2000  }
0x31: {  	[sflag:s9] =	ssyncset.done $0x0  }
0x32: {  	s7 =	simm.s32 $0x18;
	[sflag:s9] =	ssyncadd.s32 $0xFFFFE000  }
0x33: {  	_ =	swait.ge [sflag:s7], $0x2000  }
0x34: {  	[sflag:s7] =	ssyncset.done $0x0  }
0x35: {  	s8 =	simm.s32 $0x19;
	[sflag:s7] =	ssyncadd.s32 $0xFFFFE000  }
0x36: {  	_ =	swait.ge [sflag:s8], $0x2000  }
0x37: {  	[sflag:s8] =	ssyncset.done $0x0  }
0x38: {  	[sflag:s8] =	ssyncadd.s32 $0xFFFFE000  }
0x39: {  	_ =	swait.ge [sflag:s21], $0x2000  }
0x3a: {  	s7 =	rddreg [dreg:$0x9]  }
0x3b: {  	s9 =	rddreg [dreg:$0x8];
	s7 =	sadd.s32 $0x1, s7  }
0x3c: {  	p0 =	sne.s32 s7, s9  }
.Ltmp1:
0x3d: {  	_ = 	snop;
	(pc) =	sbr.rel @!p0 .LBB2_5-.Ltmp1, $3  }
0x3e: {  	_ =	sdelay $0x1  }
0x3f: {  	[sflag:s21] =	ssyncset.done $0x0  }
0x40: {  	[sflag:s21] =	ssyncadd.s32 $0xFFFFE000  }
.LBB2_1:
0x41: {  	[dreg:$0x9] =	wrdreg s7  }
0x42: {  	s4 =	rddreg [dreg:$0x3];
	s8 =	simm.s32 $0x1B  }
0x43: {  	[tilespmem:s3], [sflag:$0x1B] =	stream.linear.gather [hbm4b:s4+s3], $0xD00, $0x38;
	[tilespmem:$0x1AD00] =	vst v63  }
0x44: {  	_ =	swait.ge [sflag:s8], $0xD00  }
0x45: {  	[sflag:s8] =	ssyncset.done $0x0  }
0x46: {  	s9 =	simm.s32 $0xD00;
	s4 =	simm.s32 $0x80;
	[sflag:s8] =	ssyncadd.s32 $0xFFFFF300  }
0x47: {  	[tilespmem:s9], [sflag:$0x1] =	stream.indirect.gather [hbm4b:s5+s4], $0x40, s3, s4, $0xb8;
	[tilespmem:$0x1AD00] =	vst v63  }
0x48: {  	s8 =	simm.s32 $0x2D00  }
0x49: {  	[tilespmem:s8], [sflag:$0x2] =	stream.indirect.gather [hbm4b:s5+s4], $0x40, s4, s4, $0xb8;
	[tilespmem:$0x1AD00] =	vst v63  }
0x4a: {  	s9 =	simm.s32 $0x100;
	s8 =	simm.s32 $0x4D00  }
0x4b: {  	[tilespmem:s8], [sflag:$0x3] =	stream.indirect.gather [hbm4b:s5+s4], $0x40, s9, s4, $0xb8;
	[tilespmem:$0x1AD00] =	vst v63  }
0x4c: {  	s8 =	simm.s32 $0x180;
	s9 =	simm.s32 $0x6D00  }
0x4d: {  	[tilespmem:s9], [sflag:$0x4] =	stream.indirect.gather [hbm4b:s5+s4], $0x40, s8, s4, $0xb8;
	[tilespmem:$0x1AD00] =	vst v63  }
0x4e: {  	s8 =	simm.s32 $0x200;
	s9 =	simm.s32 $0x8D00  }
0x4f: {  	[tilespmem:s9], [sflag:$0x5] =	stream.indirect.gather [hbm4b:s5+s4], $0x40, s8, s4, $0xb8;
	[tilespmem:$0x1AD00] =	vst v63  }
0x50: {  	s8 =	simm.s32 $0x280;
	s9 =	simm.s32 $0xAD00  }
0x51: {  	[tilespmem:s9], [sflag:$0x6] =	stream.indirect.gather [hbm4b:s5+s4], $0x40, s8, s4, $0xb8;
	[tilespmem:$0x1AD00] =	vst v63  }
0x52: {  	s8 =	simm.s32 $0x300;
	s9 =	simm.s32 $0xCD00  }
0x53: {  	[tilespmem:s9], [sflag:$0x7] =	stream.indirect.gather [hbm4b:s5+s4], $0x40, s8, s4, $0xb8;
	[tilespmem:$0x1AD00] =	vst v63  }
0x54: {  	s8 =	simm.s32 $0x380;
	s9 =	simm.s32 $0xED00  }
0x55: {  	[tilespmem:s9], [sflag:$0x8] =	stream.indirect.gather [hbm4b:s5+s4], $0x40, s8, s4, $0xb8;
	[tilespmem:$0x1AD00] =	vst v63  }
0x56: {  	s8 =	simm.s32 $0x400;
	s9 =	simm.s32 $0x10D00  }
0x57: {  	[tilespmem:s9], [sflag:$0x9] =	stream.indirect.gather [hbm4b:s5+s4], $0x40, s8, s4, $0xb8;
	[tilespmem:$0x1AD00] =	vst v63  }
0x58: {  	s8 =	simm.s32 $0x480;
	s9 =	simm.s32 $0x12D00  }
0x59: {  	[tilespmem:s9], [sflag:$0xA] =	stream.indirect.gather [hbm4b:s5+s4], $0x40, s8, s4, $0xb8;
	[tilespmem:$0x1AD00] =	vst v63  }
0x5a: {  	s8 =	simm.s32 $0x500;
	s9 =	simm.s32 $0x14D00  }
0x5b: {  	[tilespmem:s9], [sflag:$0xB] =	stream.indirect.gather [hbm4b:s5+s4], $0x40, s8, s4, $0xb8;
	[tilespmem:$0x1AD00] =	vst v63  }
0x5c: {  	s8 =	simm.s32 $0x580;
	s9 =	simm.s32 $0x16D00  }
0x5d: {  	[tilespmem:s9], [sflag:$0xC] =	stream.indirect.gather [hbm4b:s5+s4], $0x40, s8, s4, $0xb8;
	[tilespmem:$0x1AD00] =	vst v63  }
0x5e: {  	p0 =	por $0x1, $0x1;
	s7 =	simm.s32 $0x600;
	s4 =	simm.s32 $0x0  }
.LBB2_2:
0x5f: {  	s8 =	simm.s32 $0x80  }
0x60: {  	[tilespmem:s19], [sflag:$0xD] =	stream.indirect.gather [hbm4b:s5+s8], $0x40, s7, s8, $0xb8;
	[tilespmem:$0x1AD00] =	vst v63  }
0x61: {  	s8 =	sadd.s32 s10, s4;
	_ =	swait.ge [sflag:s20], $0x2000  }
0x62: {  	s7 =	sshll.u32 s8, $0x3;
	[sflag:s20] =	ssyncset.done $0x0  }
0x63: {  	s9 =	simm.s32 $0xD00;
	s7 =	sadd.s32 s2, s7;
	[sflag:s20] =	ssyncadd.s32 $0xFFFFE000  }
0x64: {  	[hbm4b:s7+s3] =	stream.linear.scatter [tilespmem:s9], [sflag:$0xE], $0x2000, $0x38;
	[tilespmem:$0x1AD00] =	vst v63  }
0x65: {  	s7 =	simm.s32 @p0 $0xE  }
0x66: {  	_ =	swait.ge @p0 [sflag:s7], $0x2000  }
0x67: {  	s8 =	simm.s32 @p0 $0x680;
	[sflag:s7] =	ssyncset.done @p0 $0x0  }
0x68: {  	s9 =	simm.s32 @p0 $0xD00;
	[sflag:s7] =	ssyncadd.s32 @p0 $0xFFFFE000;
	s7 =	simm.s32 @p0 $0x80  }
0x69: {  	[tilespmem:s9], [sflag:$0x1] =	stream.indirect.gather @p0 [hbm4b:s5+s7], $0x40, s8, s7, $0xb8;
	[tilespmem:$0x1AD00] =	vst v63  }
0x6a: {  	s9 =	rddreg [dreg:$0x4]  }
0x6b: {  	s8 =	sadd.s32 s4, s9  }
0x6c: {  	_ =	swait.ge [sflag:s22], $0x2000;
	s8 =	sshll.u32 s8, $0x3  }
0x6d: {  	[sflag:s22] =	ssyncset.done $0x0;
	s8 =	sand.u32 $0x1FFFFC00, s8  }
0x6e: {  	s9 =	simm.s32 $0x2D00;
	[sflag:s22] =	ssyncadd.s32 $0xFFFFE000;
	s8 =	sadd.s32 s2, s8  }
0x6f: {  	[hbm4b:s8+s3] =	stream.linear.scatter [tilespmem:s9], [sflag:$0xF], $0x2000, $0x38;
	[tilespmem:$0x1AD00] =	vst v63  }
0x70: {  	s8 =	simm.s32 @p0 $0xF  }
0x71: {  	_ =	swait.ge @p0 [sflag:s8], $0x2000  }
0x72: {  	[sflag:s8] =	ssyncset.done @p0 $0x0  }
0x73: {  	s9 =	simm.s32 @p0 $0x2D00;
	[sflag:s8] =	ssyncadd.s32 @p0 $0xFFFFE000;
	s8 =	simm.s32 @p0 $0x700  }
0x74: {  	[tilespmem:s9], [sflag:$0x2] =	stream.indirect.gather @p0 [hbm4b:s5+s7], $0x40, s8, s7, $0xb8;
	[tilespmem:$0x1AD00] =	vst v63  }
0x75: {  	s9 =	rddreg [dreg:$0x5]  }
0x76: {  	s8 =	sadd.s32 s4, s9  }
0x77: {  	_ =	swait.ge [sflag:s23], $0x2000;
	s8 =	sshll.u32 s8, $0x3  }
0x78: {  	[sflag:s23] =	ssyncset.done $0x0;
	s8 =	sand.u32 $0x1FFFFC00, s8  }
0x79: {  	s9 =	simm.s32 $0x4D00;
	[sflag:s23] =	ssyncadd.s32 $0xFFFFE000;
	s8 =	sadd.s32 s2, s8  }
0x7a: {  	[hbm4b:s8+s3] =	stream.linear.scatter [tilespmem:s9], [sflag:$0x10], $0x2000, $0x38;
	[tilespmem:$0x1AD00] =	vst v63  }
0x7b: {  	s8 =	simm.s32 @p0 $0x10  }
0x7c: {  	_ =	swait.ge @p0 [sflag:s8], $0x2000  }
0x7d: {  	[sflag:s8] =	ssyncset.done @p0 $0x0  }
0x7e: {  	s9 =	simm.s32 @p0 $0x4D00;
	[sflag:s8] =	ssyncadd.s32 @p0 $0xFFFFE000;
	s8 =	simm.s32 @p0 $0x780  }
0x7f: {  	[tilespmem:s9], [sflag:$0x3] =	stream.indirect.gather @p0 [hbm4b:s5+s7], $0x40, s8, s7, $0xb8;
	[tilespmem:$0x1AD00] =	vst v63  }
0x80: {  	s9 =	rddreg [dreg:$0x6]  }
0x81: {  	s8 =	sadd.s32 s4, s9  }
0x82: {  	_ =	swait.ge [sflag:s25], $0x2000;
	s8 =	sshll.u32 s8, $0x3  }
0x83: {  	[sflag:s25] =	ssyncset.done $0x0;
	s8 =	sand.u32 $0x1FFFFC00, s8  }
0x84: {  	s9 =	simm.s32 $0x6D00;
	[sflag:s25] =	ssyncadd.s32 $0xFFFFE000;
	s8 =	sadd.s32 s2, s8  }
0x85: {  	[hbm4b:s8+s3] =	stream.linear.scatter [tilespmem:s9], [sflag:$0x11], $0x2000, $0x38;
	[tilespmem:$0x1AD00] =	vst v63  }
0x86: {  	s8 =	simm.s32 @p0 $0x11  }
0x87: {  	_ =	swait.ge @p0 [sflag:s8], $0x2000  }
0x88: {  	[sflag:s8] =	ssyncset.done @p0 $0x0  }
0x89: {  	s9 =	simm.s32 @p0 $0x6D00;
	[sflag:s8] =	ssyncadd.s32 @p0 $0xFFFFE000;
	s8 =	simm.s32 @p0 $0x800  }
0x8a: {  	[tilespmem:s9], [sflag:$0x4] =	stream.indirect.gather @p0 [hbm4b:s5+s7], $0x40, s8, s7, $0xb8;
	[tilespmem:$0x1AD00] =	vst v63  }
0x8b: {  	s9 =	rddreg [dreg:$0x7]  }
0x8c: {  	s8 =	sadd.s32 s4, s9  }
0x8d: {  	_ =	swait.ge [sflag:s28], $0x2000;
	s8 =	sshll.u32 s8, $0x3  }
0x8e: {  	[sflag:s28] =	ssyncset.done $0x0;
	s8 =	sand.u32 $0x1FFFFC00, s8  }
0x8f: {  	s9 =	simm.s32 $0x8D00;
	[sflag:s28] =	ssyncadd.s32 $0xFFFFE000;
	s8 =	sadd.s32 s2, s8  }
0x90: {  	[hbm4b:s8+s3] =	stream.linear.scatter [tilespmem:s9], [sflag:$0x12], $0x2000, $0x38;
	[tilespmem:$0x1AD00] =	vst v63  }
0x91: {  	s8 =	simm.s32 @p0 $0x12  }
0x92: {  	_ =	swait.ge @p0 [sflag:s8], $0x2000  }
0x93: {  	[sflag:s8] =	ssyncset.done @p0 $0x0  }
0x94: {  	s9 =	simm.s32 @p0 $0x8D00;
	[sflag:s8] =	ssyncadd.s32 @p0 $0xFFFFE000;
	s8 =	simm.s32 @p0 $0x880  }
0x95: {  	[tilespmem:s9], [sflag:$0x5] =	stream.indirect.gather @p0 [hbm4b:s5+s7], $0x40, s8, s7, $0xb8;
	[tilespmem:$0x1AD00] =	vst v63  }
0x96: {  	s9 =	sadd.s32 s4, s11  }
0x97: {  	_ =	swait.ge [sflag:s30], $0x2000;
	s8 =	sshll.u32 s9, $0x3  }
0x98: {  	[sflag:s30] =	ssyncset.done $0x0;
	s8 =	sand.u32 $0x1FFFFC00, s8  }
0x99: {  	s9 =	simm.s32 $0xAD00;
	[sflag:s30] =	ssyncadd.s32 $0xFFFFE000;
	s8 =	sadd.s32 s2, s8  }
0x9a: {  	[hbm4b:s8+s3] =	stream.linear.scatter [tilespmem:s9], [sflag:$0x13], $0x2000, $0x38;
	[tilespmem:$0x1AD00] =	vst v63  }
0x9b: {  	s8 =	simm.s32 @p0 $0x13  }
0x9c: {  	_ =	swait.ge @p0 [sflag:s8], $0x2000  }
0x9d: {  	[sflag:s8] =	ssyncset.done @p0 $0x0  }
0x9e: {  	s9 =	simm.s32 @p0 $0xAD00;
	[sflag:s8] =	ssyncadd.s32 @p0 $0xFFFFE000;
	s8 =	simm.s32 @p0 $0x900  }
0x9f: {  	[tilespmem:s9], [sflag:$0x6] =	stream.indirect.gather @p0 [hbm4b:s5+s7], $0x40, s8, s7, $0xb8;
	[tilespmem:$0x1AD00] =	vst v63  }
0xa0: {  	s9 =	sadd.s32 s4, s12  }
0xa1: {  	_ =	swait.ge [sflag:s1], $0x2000;
	s8 =	sshll.u32 s9, $0x3  }
0xa2: {  	[sflag:s1] =	ssyncset.done $0x0;
	s8 =	sand.u32 $0x1FFFFC00, s8  }
0xa3: {  	s9 =	simm.s32 $0xCD00;
	[sflag:s1] =	ssyncadd.s32 $0xFFFFE000;
	s8 =	sadd.s32 s2, s8  }
0xa4: {  	[hbm4b:s8+s3] =	stream.linear.scatter [tilespmem:s9], [sflag:$0x14], $0x2000, $0x38;
	[tilespmem:$0x1AD00] =	vst v63  }
0xa5: {  	s8 =	simm.s32 @p0 $0x14  }
0xa6: {  	_ =	swait.ge @p0 [sflag:s8], $0x2000  }
0xa7: {  	[sflag:s8] =	ssyncset.done @p0 $0x0  }
0xa8: {  	s9 =	simm.s32 @p0 $0xCD00;
	[sflag:s8] =	ssyncadd.s32 @p0 $0xFFFFE000;
	s8 =	simm.s32 @p0 $0x980  }
0xa9: {  	[tilespmem:s9], [sflag:$0x7] =	stream.indirect.gather @p0 [hbm4b:s5+s7], $0x40, s8, s7, $0xb8;
	[tilespmem:$0x1AD00] =	vst v63  }
0xaa: {  	s9 =	sadd.s32 s4, s13  }
0xab: {  	_ =	swait.ge [sflag:s24], $0x2000;
	s8 =	sshll.u32 s9, $0x3  }
0xac: {  	[sflag:s24] =	ssyncset.done $0x0;
	s8 =	sand.u32 $0x1FFFFC00, s8  }
0xad: {  	s9 =	simm.s32 $0xED00;
	[sflag:s24] =	ssyncadd.s32 $0xFFFFE000;
	s8 =	sadd.s32 s2, s8  }
0xae: {  	[hbm4b:s8+s3] =	stream.linear.scatter [tilespmem:s9], [sflag:$0x15], $0x2000, $0x38;
	[tilespmem:$0x1AD00] =	vst v63  }
0xaf: {  	s8 =	simm.s32 @p0 $0x15  }
0xb0: {  	_ =	swait.ge @p0 [sflag:s8], $0x2000  }
0xb1: {  	[sflag:s8] =	ssyncset.done @p0 $0x0  }
0xb2: {  	s9 =	simm.s32 @p0 $0xED00;
	[sflag:s8] =	ssyncadd.s32 @p0 $0xFFFFE000;
	s8 =	simm.s32 @p0 $0xA00  }
0xb3: {  	[tilespmem:s9], [sflag:$0x8] =	stream.indirect.gather @p0 [hbm4b:s5+s7], $0x40, s8, s7, $0xb8;
	[tilespmem:$0x1AD00] =	vst v63  }
0xb4: {  	s9 =	sadd.s32 s4, s14  }
0xb5: {  	_ =	swait.ge [sflag:s29], $0x2000;
	s8 =	sshll.u32 s9, $0x3  }
0xb6: {  	[sflag:s29] =	ssyncset.done $0x0;
	s8 =	sand.u32 $0x1FFFFC00, s8  }
0xb7: {  	s9 =	simm.s32 $0x10D00;
	[sflag:s29] =	ssyncadd.s32 $0xFFFFE000;
	s8 =	sadd.s32 s2, s8  }
0xb8: {  	[hbm4b:s8+s3] =	stream.linear.scatter [tilespmem:s9], [sflag:$0x16], $0x2000, $0x38;
	[tilespmem:$0x1AD00] =	vst v63  }
0xb9: {  	s8 =	simm.s32 @p0 $0x16  }
0xba: {  	_ =	swait.ge @p0 [sflag:s8], $0x2000  }
0xbb: {  	[sflag:s8] =	ssyncset.done @p0 $0x0  }
0xbc: {  	s9 =	simm.s32 @p0 $0x10D00;
	[sflag:s8] =	ssyncadd.s32 @p0 $0xFFFFE000;
	s8 =	simm.s32 @p0 $0xA80  }
0xbd: {  	[tilespmem:s9], [sflag:$0x9] =	stream.indirect.gather @p0 [hbm4b:s5+s7], $0x40, s8, s7, $0xb8;
	[tilespmem:$0x1AD00] =	vst v63  }
0xbe: {  	s9 =	sadd.s32 s4, s15  }
0xbf: {  	_ =	swait.ge [sflag:s0], $0x2000;
	s8 =	sshll.u32 s9, $0x3  }
0xc0: {  	[sflag:s0] =	ssyncset.done $0x0;
	s8 =	sand.u32 $0x1FFFFC00, s8  }
0xc1: {  	s9 =	simm.s32 $0x12D00;
	[sflag:s0] =	ssyncadd.s32 $0xFFFFE000;
	s8 =	sadd.s32 s2, s8  }
0xc2: {  	[hbm4b:s8+s3] =	stream.linear.scatter [tilespmem:s9], [sflag:$0x17], $0x2000, $0x38;
	[tilespmem:$0x1AD00] =	vst v63  }
0xc3: {  	s8 =	simm.s32 @p0 $0x17  }
0xc4: {  	_ =	swait.ge @p0 [sflag:s8], $0x2000  }
0xc5: {  	[sflag:s8] =	ssyncset.done @p0 $0x0  }
0xc6: {  	s9 =	simm.s32 @p0 $0x12D00;
	[sflag:s8] =	ssyncadd.s32 @p0 $0xFFFFE000;
	s8 =	simm.s32 @p0 $0xB00  }
0xc7: {  	[tilespmem:s9], [sflag:$0xA] =	stream.indirect.gather @p0 [hbm4b:s5+s7], $0x40, s8, s7, $0xb8;
	[tilespmem:$0x1AD00] =	vst v63  }
0xc8: {  	s9 =	sadd.s32 s4, s16  }
0xc9: {  	_ =	swait.ge [sflag:s31], $0x2000;
	s8 =	sshll.u32 s9, $0x3  }
0xca: {  	[sflag:s31] =	ssyncset.done $0x0;
	s8 =	sand.u32 $0x1FFFFC00, s8  }
0xcb: {  	s9 =	simm.s32 $0x14D00;
	[sflag:s31] =	ssyncadd.s32 $0xFFFFE000;
	s8 =	sadd.s32 s2, s8  }
0xcc: {  	[hbm4b:s8+s3] =	stream.linear.scatter [tilespmem:s9], [sflag:$0x18], $0x2000, $0x38;
	[tilespmem:$0x1AD00] =	vst v63  }
0xcd: {  	s8 =	simm.s32 @p0 $0x18  }
0xce: {  	_ =	swait.ge @p0 [sflag:s8], $0x2000  }
0xcf: {  	[sflag:s8] =	ssyncset.done @p0 $0x0  }
0xd0: {  	s9 =	simm.s32 @p0 $0x14D00;
	[sflag:s8] =	ssyncadd.s32 @p0 $0xFFFFE000;
	s8 =	simm.s32 @p0 $0xB80  }
0xd1: {  	[tilespmem:s9], [sflag:$0xB] =	stream.indirect.gather @p0 [hbm4b:s5+s7], $0x40, s8, s7, $0xb8;
	[tilespmem:$0x1AD00] =	vst v63  }
0xd2: {  	s9 =	sadd.s32 s4, s17  }
0xd3: {  	_ =	swait.ge [sflag:s26], $0x2000;
	s8 =	sshll.u32 s9, $0x3  }
0xd4: {  	[sflag:s26] =	ssyncset.done $0x0;
	s8 =	sand.u32 $0x1FFFFC00, s8  }
0xd5: {  	s9 =	simm.s32 $0x16D00;
	[sflag:s26] =	ssyncadd.s32 $0xFFFFE000;
	s8 =	sadd.s32 s2, s8  }
0xd6: {  	[hbm4b:s8+s3] =	stream.linear.scatter [tilespmem:s9], [sflag:$0x19], $0x2000, $0x38;
	[tilespmem:$0x1AD00] =	vst v63  }
0xd7: {  	s8 =	simm.s32 @p0 $0x19  }
0xd8: {  	_ =	swait.ge @p0 [sflag:s8], $0x2000  }
0xd9: {  	[sflag:s8] =	ssyncset.done @p0 $0x0  }
0xda: {  	s9 =	simm.s32 @p0 $0x16D00;
	[sflag:s8] =	ssyncadd.s32 @p0 $0xFFFFE000;
	s8 =	simm.s32 @p0 $0xC00  }
0xdb: {  	[tilespmem:s9], [sflag:$0xC] =	stream.indirect.gather @p0 [hbm4b:s5+s7], $0x40, s8, s7, $0xb8;
	[tilespmem:$0x1AD00] =	vst v63  }
.Ltmp2:
0xdc: {  	s9 =	sadd.s32 s4, s18;
	(pc) =	sbr.rel @!p0 .LBB2_4-.Ltmp2, $4  }
0xdd: {  	_ =	swait.ge [sflag:s6], $0x2000;
	s4 =	sshll.u32 s9, $0x3  }
0xde: {  	[sflag:s6] =	ssyncset.done $0x0;
	s4 =	sand.u32 $0x1FFFFC00, s4  }
0xdf: {  	[sflag:s6] =	ssyncadd.s32 $0xFFFFE000;
	s4 =	sadd.s32 s2, s4  }
0xe0: {  	[hbm4b:s4+s3] =	stream.linear.scatter [tilespmem:s19], [sflag:$0x1A], $0x2000, $0x38;
	[tilespmem:$0x1AD00] =	vst v63  }
.Ltmp3:
0xe1: {  	(pc) =	sbr.rel .LBB2_2-.Ltmp3, $4  }
0xe2: {  	_ = 	snop  }
0xe3: {  	_ =	swait.ge [sflag:s21], $0x2000  }
0xe4: {  	s4 =	simm.s32 $0x680;
	[sflag:s21] =	ssyncset.done $0x0  }
0xe5: {  	p0 =	por $0x0, $0x0;
	s7 =	simm.s32 $0xC80;
	[sflag:s21] =	ssyncadd.s32 $0xFFFFE000  }
.LBB2_5:
0xe6: {  	_ =	sfence.sel $0x180000  }
0xe7: {  	[bflag:$0x0] =	sbarrier.arrive $0xFFFF  }
0xe8: {  	_ =	strace $0x90000047  }
0xe9: {  	s0 =	stileid.u32;
	[bflag:$0x2] =	sbarrier.arrive $0xFFFF  }
0xea: {  	p0 =	sne.s32 s0, $0x0;
	s0 =	rddreg [dreg:$0x2]  }
0xeb: {  	s0 =	sadd.s32 @!p0 $0x100000, s0  }
0xec: {  	[sflag:s0] =	ssyncadd.tile.s32 @!p0 $0x1;
	_ =	shalt  }
.Lfunc_end2:
_tile_overlayer_lowered:
.L_overlay_start_2:
0xed: {  	(tag) =	ssettag $0x2  }
0xee: {  	s0 =	rddreg [dreg:$0x0];
	s2 =	stileid.u32  }
0xef: {  	s1 =	rddreg [dreg:$0x1];
	p0 =	sne.s32 s2, $0x0  }
0xf0: {  	s3 =	rddreg [dreg:$0x2];
	[bflag:$0x3] =	sbarrier.arrive $0xFFFF;
	s2 =	simm.s32 @!p0 $0x1C1B  }
0xf1: {  	[timem:s3], [sflag:s2] =	dma.local @!p0 [hbm:s0], s1  }
0xf2: {  	s0 =	simm.s32 @!p0 $0x1B  }
0xf3: {  	_ =	swait.ge @!p0 [sflag:s0], s1  }
0xf4: {  	s1 =	ssub.s32 @!p0 $0x0, s1;
	[sflag:s0] =	ssyncset.done @!p0 $0x0  }
0xf5: {  	[sflag:s0] =	ssyncadd.s32 @!p0 s1  }
0xf6: {  	[bflag:$0x3] =	sbarrier.arrive $0xFFFF  }
0xf7: {  	_ =	shalt  }

</sc_bundles>
